<compile_context>
chip_gen: v7x
topology: tpu7x:2x2x1
jax: 0.10.2.dev20260603
libtpu: 0.0.44.dev20260713+nightly
codegen_flags: <defaults>
</compile_context>

<pallas_src>
import functools

import jax
import jax.numpy as jnp
from jax import lax
from jax.experimental import pallas as pl
from jax.experimental.pallas import tpu as pltpu
from jax.experimental.pallas import tpu_sc as plsc

_VOCAB = 100000
_EMB = 50
_HID = 32
_BATCH = 16384
_SEQ = 200

_NC = 2
_NS = 16
_NW = _NC * _NS
_BPW = _BATCH // _NW

_CHUNK_A = 104
_CHUNK_B = _SEQ - _CHUNK_A

_VBLK = 1000


def _table_body(w_ref, w1_ref, t_ref):
    t_ref[...] = jnp.dot(
        w_ref[...], w1_ref[...], preferred_element_type=jnp.float32
    ) * (1.0 / _SEQ)


def _fused_table(w, w1):
    return pl.pallas_call(
        _table_body,
        grid=(_VOCAB // _VBLK,),
        in_specs=[
            pl.BlockSpec((_VBLK, _EMB), lambda i: (i, 0)),
            pl.BlockSpec((_EMB, _HID), lambda i: (0, 0)),
        ],
        out_specs=pl.BlockSpec((_VBLK, _HID), lambda i: (i, 0)),
        out_shape=jax.ShapeDtypeStruct((_VOCAB, _HID), jnp.float32),
    )(w, w1)


def _sc_body(t_hbm, x_hbm, p_hbm, out_hbm,
             idx_v, rows0, rows1, out_v, p_v, sem0, sem1):
    wid = lax.axis_index("s") * _NC + lax.axis_index("c")
    base = wid * _BPW

    pltpu.sync_copy(x_hbm.at[pl.ds(base * _SEQ, _BPW * _SEQ)], idx_v)
    pltpu.sync_copy(p_hbm, p_v)

    bufs = (rows0, rows1)
    sems = (sem0, sem1)

    def issue(b, j):
        pltpu.async_copy(
            t_hbm.at[idx_v.at[pl.ds(b * _SEQ, _CHUNK_A)]],
            bufs[j].at[pl.ds(0, _CHUNK_A)], sems[j])
        pltpu.async_copy(
            t_hbm.at[idx_v.at[pl.ds(b * _SEQ + _CHUNK_A, _CHUNK_B)]],
            bufs[j].at[pl.ds(_CHUNK_A, _CHUNK_B)], sems[j])

    def wait(b, j):
        pltpu.make_async_copy(
            t_hbm.at[idx_v.at[pl.ds(b * _SEQ, _CHUNK_A)]],
            bufs[j].at[pl.ds(0, _CHUNK_A)], sems[j]).wait()
        pltpu.make_async_copy(
            t_hbm.at[idx_v.at[pl.ds(b * _SEQ + _CHUNK_A, _CHUNK_B)]],
            bufs[j].at[pl.ds(_CHUNK_A, _CHUNK_B)], sems[j]).wait()

    b1a = p_v[pl.ds(0, 16)]
    b1b = p_v[pl.ds(16, 16)]
    w2a = p_v[pl.ds(32, 16)]
    w2b = p_v[pl.ds(48, 16)]
    b2s = p_v[pl.ds(64, 16)][0]
    lane = lax.iota(jnp.int32, 16)

    issue(0, 0)
    issue(1, 1)

    unroll = 8

    def outer(g, ovec):
        for j in range(2):
            b = 2 * g + j
            wait(b, j)
            rows = bufs[j]

            def acc_body(i, accs):
                a0, a1 = accs
                for k in range(unroll):
                    r = i * unroll + k
                    a0 = a0 + rows[r, pl.ds(0, 16)]
                    a1 = a1 + rows[r, pl.ds(16, 16)]
                return (a0, a1)

            z = jnp.zeros((16,), jnp.float32)
            a0, a1 = lax.fori_loop(0, _SEQ // unroll, acc_body, (z, z))

            h0 = jnp.maximum(a0 + b1a, 0.0) * w2a
            h1 = jnp.maximum(a1 + b1b, 0.0) * w2b
            s = jnp.sum(h0 + h1) + b2s
            ovec = jnp.where(lane == (b & 15), s, ovec)

            @pl.when((b & 15) == 15)
            def _():
                out_v[pl.ds(b - 15, 16)] = ovec

            nb = b + 2

            @pl.when(nb < _BPW)
            def _():
                issue(nb, j)
        return ovec

    pl.loop(0, _BPW // 2, init_carry=jnp.zeros((16,), jnp.float32))(outer)

    pltpu.sync_copy(out_v, out_hbm.at[pl.ds(base, _BPW)])


_sc_call = functools.partial(
    pl.kernel,
    mesh=plsc.VectorSubcoreMesh(core_axis_name="c", subcore_axis_name="s"),
    out_type=jax.ShapeDtypeStruct((_BATCH,), jnp.float32),
    scratch_types=[
        pltpu.VMEM((_BPW * _SEQ,), jnp.int32),
        pltpu.VMEM((_SEQ, _HID), jnp.float32),
        pltpu.VMEM((_SEQ, _HID), jnp.float32),
        pltpu.VMEM((_BPW,), jnp.float32),
        pltpu.VMEM((80,), jnp.float32),
        pltpu.SemaphoreType.DMA,
        pltpu.SemaphoreType.DMA,
    ],
    compiler_params=pltpu.CompilerParams(
        needs_layout_passes=False, use_tc_tiling_on_sc=False),
)


@jax.jit
def kernel(x, W, W1, b1, W2, b2):
    t = _fused_table(W, W1)
    params = jnp.concatenate(
        [b1, W2[:, 0], jnp.full((16,), b2[0], jnp.float32)])
    out = _sc_call(_sc_body)(t, x.astype(jnp.int32).reshape(-1), params)
    return out.reshape(_BATCH, 1)

# --- scband reference (transcript-rebuilt; emitter-appended) ---
"""Pipeline reference for scband-mlp-71949292143366 (READ-ONLY COPY).

The authoritative reference and input builder live on the scoring server;
editing this copy changes nothing except your own understanding.
"""

import jax, jax.numpy as jnp
import numpy as np

VOCAB = 100000
EMBED_DIM = 50
HIDDEN = 32
BATCH = 16384
SEQ = 200

def setup_inputs(seed: int = 0) -> dict:
    key = jax.random.key(seed)
    k1, k2, k3, k4, k5 = jax.random.split(key, 5)
    x = jax.random.randint(k1, (BATCH, SEQ), 0, VOCAB)
    W = jax.random.normal(k2, (VOCAB, EMBED_DIM), dtype=jnp.float32) * 0.1
    W1 = jax.random.normal(k3, (EMBED_DIM, HIDDEN), dtype=jnp.float32) * (1.0 / np.sqrt(EMBED_DIM))
    b1 = jnp.zeros((HIDDEN,), dtype=jnp.float32)
    W2 = jax.random.normal(k4, (HIDDEN, 1), dtype=jnp.float32) * (1.0 / np.sqrt(HIDDEN))
    b2 = jnp.zeros((1,), dtype=jnp.float32)
    return {"x": x, "W": W, "W1": W1, "b1": b1, "W2": W2, "b2": b2}

def reference(x, W, W1, b1, W2, b2):
    # x: int indices [B, L]; ndim==2 so rdim=1
    emb = jnp.take(W, x, axis=0)            # embedding lookup -> [B, L, D]
    h = jnp.mean(emb, axis=1)               # mean pool over sequence -> [B, D]
    h = h @ W1 + b1                          # linear1
    h = jax.nn.relu(h)
    out = h @ W2 + b2                        # linear2 -> [B, 1]
    return out

if __name__ == "__main__":
    import jax
    _d = setup_inputs()
    print(jax.jit(kernel)(*tuple(_d.values())))

</pallas_src>

<mosaic_0001>
#map = affine_map<(d0, d1) -> (0, 0)>
#map1 = affine_map<(d0, d1) -> (0)>
module attributes {stable_mosaic.version = 14 : i64} {
  func.func @_sc_body(%arg0: i32, %arg1: i32, %arg2: memref<100000x32xf32, #tpu.memory_space<hbm>>, %arg3: memref<3276800xi32, #tpu.memory_space<hbm>>, %arg4: memref<80xf32, #tpu.memory_space<hbm>>, %arg5: memref<16384xf32, #tpu.memory_space<hbm>>, %arg6: memref<102400xi32, #tpu.memory_space<vmem>>, %arg7: memref<200x32xf32, #tpu.memory_space<vmem>>, %arg8: memref<200x32xf32, #tpu.memory_space<vmem>>, %arg9: memref<512xf32, #tpu.memory_space<vmem>>, %arg10: memref<80xf32, #tpu.memory_space<vmem>>, %arg11: memref<!tpu.dma_semaphore, #tpu.memory_space<semaphore_mem>>, %arg12: memref<!tpu.dma_semaphore, #tpu.memory_space<semaphore_mem>>) attributes {dimension_semantics = [#tpu.dimension_semantics<core_parallel>, #tpu.dimension_semantics<subcore_parallel>], iteration_bounds = array<i64: 2, 16>, scalar_prefetch = 0 : i64, scratch_operands = 7 : i64, tpu.core_type = #tpu.core_type<sc_vector_subcore>, window_params = [{transform_indices = #map}, {transform_indices = #map1}, {transform_indices = #map1}, {transform_indices = #map1}]} {
    %mul3A = arith.constant 2 : i32
    %mul3A_0 = arith.muli %arg1, %mul3A : i32
    %add3A = arith.addi %mul3A_0, %arg0 : i32
    %mul3A_1 = arith.constant 512 : i32
    %mul3A_2 = arith.muli %add3A, %mul3A_1 : i32
    %mul3A_3 = arith.constant 200 : i32
    %mul3A_4 = arith.muli %mul3A_2, %mul3A_3 : i32
    "tpu.region"() ({
      %run_scoped3A = tpu.sem_alloc : memref<!tpu.dma_semaphore, #tpu.memory_space<semaphore_mem>>
      %dma_start3A_51 = tpu.memref_slice %arg3[%mul3A_4] : memref<3276800xi32, #tpu.memory_space<hbm>> -> memref<102400xi32, #tpu.memory_space<hbm>>
      %dma_start3A_52 = tpu.memref_slice %arg3[%mul3A_4] : memref<3276800xi32, #tpu.memory_space<hbm>> -> memref<102400xi32, #tpu.memory_space<hbm>>
      tpu.enqueue_dma source(%dma_start3A_52 : memref<102400xi32, #tpu.memory_space<hbm>>) target(%arg6 : memref<102400xi32, #tpu.memory_space<vmem>>) target_semaphore(%run_scoped3A : memref<!tpu.dma_semaphore, #tpu.memory_space<semaphore_mem>>)
      %dma_wait3A = tpu.memref_slice %arg3[%mul3A_4] : memref<3276800xi32, #tpu.memory_space<hbm>> -> memref<102400xi32, #tpu.memory_space<hbm>>
      %dma_wait3A_53 = tpu.memref_slice %arg3[%mul3A_4] : memref<3276800xi32, #tpu.memory_space<hbm>> -> memref<102400xi32, #tpu.memory_space<hbm>>
      tpu.wait_dma2 semaphore(%run_scoped3A : memref<!tpu.dma_semaphore, #tpu.memory_space<semaphore_mem>>) src(%dma_wait3A_53 : memref<102400xi32, #tpu.memory_space<hbm>>) dst(%arg6 : memref<102400xi32, #tpu.memory_space<vmem>>)
      tpu.yield
    }) : () -> ()
    "tpu.region"() ({
      %run_scoped3A = tpu.sem_alloc : memref<!tpu.dma_semaphore, #tpu.memory_space<semaphore_mem>>
      tpu.enqueue_dma source(%arg4 : memref<80xf32, #tpu.memory_space<hbm>>) target(%arg10 : memref<80xf32, #tpu.memory_space<vmem>>) target_semaphore(%run_scoped3A : memref<!tpu.dma_semaphore, #tpu.memory_space<semaphore_mem>>)
      tpu.wait_dma2 semaphore(%run_scoped3A : memref<!tpu.dma_semaphore, #tpu.memory_space<semaphore_mem>>) src(%arg4 : memref<80xf32, #tpu.memory_space<hbm>>) dst(%arg10 : memref<80xf32, #tpu.memory_space<vmem>>)
      tpu.yield
    }) : () -> ()
    %get3A = arith.constant 0 : index
    %get3A_5 = tpu.vector_load %arg10[%get3A] {strides = array<i32>} : memref<80xf32, #tpu.memory_space<vmem>>, vector<16xf32>,
    %get3A_6 = arith.constant 16 : index
    %get3A_7 = tpu.vector_load %arg10[%get3A_6] {strides = array<i32>} : memref<80xf32, #tpu.memory_space<vmem>>, vector<16xf32>,
    %get3A_8 = arith.constant 32 : index
    %get3A_9 = tpu.vector_load %arg10[%get3A_8] {strides = array<i32>} : memref<80xf32, #tpu.memory_space<vmem>>, vector<16xf32>,
    %get3A_10 = arith.constant 48 : index
    %get3A_11 = tpu.vector_load %arg10[%get3A_10] {strides = array<i32>} : memref<80xf32, #tpu.memory_space<vmem>>, vector<16xf32>,
    %get3A_12 = arith.constant 64 : index
    %get3A_13 = tpu.vector_load %arg10[%get3A_12] {strides = array<i32>} : memref<80xf32, #tpu.memory_space<vmem>>, vector<16xf32>,
    %slice3A = vector.extract_strided_slice %get3A_13 {offsets = [0], sizes = [1], strides = [1]} : vector<16xf32> to vector<1xf32>
    %squeeze3A = vector.extract %slice3A[0] : f32 from vector<1xf32>
    %iota3A = tpu.iota {dimensions = array<i32: 0>} : vector<16xi32>
    %dma_start3A = arith.constant 0 : i32
    %dma_start3A_14 = arith.constant 0 : i32
    %dma_start3A_15 = tpu.memref_slice %arg7[%dma_start3A, %dma_start3A_14] : memref<200x32xf32, #tpu.memory_space<vmem>> -> memref<104x32xf32, #tpu.memory_space<vmem>>
    %dma_start3A_16 = arith.constant 0 : i32
    %dma_start3A_17 = tpu.memref_slice %arg6[%dma_start3A_16] : memref<102400xi32, #tpu.memory_space<vmem>> -> memref<104xi32, #tpu.memory_space<vmem>>
    %dma_start3A_18 = arith.constant 0 : i32
    %dma_start3A_19 = arith.constant 0 : i32
    %dma_start3A_20 = tpu.memref_slice %arg2[%dma_start3A_18, %dma_start3A_19] : memref<100000x32xf32, #tpu.memory_space<hbm>> -> memref<100000x32xf32, #tpu.memory_space<hbm>>
    tpu.enqueue_indirect_dma source(%dma_start3A_20 : memref<100000x32xf32, #tpu.memory_space<hbm>>) target(%dma_start3A_15 : memref<104x32xf32, #tpu.memory_space<vmem>>) offsets(%dma_start3A_17 : memref<104xi32, #tpu.memory_space<vmem>>) semaphore(%arg11 : memref<!tpu.dma_semaphore, #tpu.memory_space<semaphore_mem>>)
    %dma_start3A_21 = arith.constant 104 : i32
    %dma_start3A_22 = arith.constant 0 : i32
    %dma_start3A_23 = tpu.memref_slice %arg7[%dma_start3A_21, %dma_start3A_22] : memref<200x32xf32, #tpu.memory_space<vmem>> -> memref<96x32xf32, #tpu.memory_space<vmem>>
    %dma_start3A_24 = arith.constant 104 : i32
    %dma_start3A_25 = tpu.memref_slice %arg6[%dma_start3A_24] : memref<102400xi32, #tpu.memory_space<vmem>> -> memref<96xi32, #tpu.memory_space<vmem>>
    %dma_start3A_26 = arith.constant 0 : i32
    %dma_start3A_27 = arith.constant 0 : i32
    %dma_start3A_28 = tpu.memref_slice %arg2[%dma_start3A_26, %dma_start3A_27] : memref<100000x32xf32, #tpu.memory_space<hbm>> -> memref<100000x32xf32, #tpu.memory_space<hbm>>
    tpu.enqueue_indirect_dma source(%dma_start3A_28 : memref<100000x32xf32, #tpu.memory_space<hbm>>) target(%dma_start3A_23 : memref<96x32xf32, #tpu.memory_space<vmem>>) offsets(%dma_start3A_25 : memref<96xi32, #tpu.memory_space<vmem>>) semaphore(%arg11 : memref<!tpu.dma_semaphore, #tpu.memory_space<semaphore_mem>>)
    %dma_start3A_29 = arith.constant 0 : i32
    %dma_start3A_30 = arith.constant 0 : i32
    %dma_start3A_31 = tpu.memref_slice %arg8[%dma_start3A_29, %dma_start3A_30] : memref<200x32xf32, #tpu.memory_space<vmem>> -> memref<104x32xf32, #tpu.memory_space<vmem>>
    %dma_start3A_32 = arith.constant 200 : i32
    %dma_start3A_33 = tpu.memref_slice %arg6[%dma_start3A_32] : memref<102400xi32, #tpu.memory_space<vmem>> -> memref<104xi32, #tpu.memory_space<vmem>>
    %dma_start3A_34 = arith.constant 0 : i32
    %dma_start3A_35 = arith.constant 0 : i32
    %dma_start3A_36 = tpu.memref_slice %arg2[%dma_start3A_34, %dma_start3A_35] : memref<100000x32xf32, #tpu.memory_space<hbm>> -> memref<100000x32xf32, #tpu.memory_space<hbm>>
    tpu.enqueue_indirect_dma source(%dma_start3A_36 : memref<100000x32xf32, #tpu.memory_space<hbm>>) target(%dma_start3A_31 : memref<104x32xf32, #tpu.memory_space<vmem>>) offsets(%dma_start3A_33 : memref<104xi32, #tpu.memory_space<vmem>>) semaphore(%arg12 : memref<!tpu.dma_semaphore, #tpu.memory_space<semaphore_mem>>)
    %dma_start3A_37 = arith.constant 104 : i32
    %dma_start3A_38 = arith.constant 0 : i32
    %dma_start3A_39 = tpu.memref_slice %arg8[%dma_start3A_37, %dma_start3A_38] : memref<200x32xf32, #tpu.memory_space<vmem>> -> memref<96x32xf32, #tpu.memory_space<vmem>>
    %dma_start3A_40 = arith.constant 304 : i32
    %dma_start3A_41 = tpu.memref_slice %arg6[%dma_start3A_40] : memref<102400xi32, #tpu.memory_space<vmem>> -> memref<96xi32, #tpu.memory_space<vmem>>
    %dma_start3A_42 = arith.constant 0 : i32
    %dma_start3A_43 = arith.constant 0 : i32
    %dma_start3A_44 = tpu.memref_slice %arg2[%dma_start3A_42, %dma_start3A_43] : memref<100000x32xf32, #tpu.memory_space<hbm>> -> memref<100000x32xf32, #tpu.memory_space<hbm>>
    tpu.enqueue_indirect_dma source(%dma_start3A_44 : memref<100000x32xf32, #tpu.memory_space<hbm>>) target(%dma_start3A_39 : memref<96x32xf32, #tpu.memory_space<vmem>>) offsets(%dma_start3A_41 : memref<96xi32, #tpu.memory_space<vmem>>) semaphore(%arg12 : memref<!tpu.dma_semaphore, #tpu.memory_space<semaphore_mem>>)
    %broadcast_in_dim3A = arith.constant 0.000000e+00 : f32
    %broadcast_in_dim3A_45 = vector.broadcast %broadcast_in_dim3A : f32 to vector<16xf32>
    %scan3A = arith.constant 0 : i32
    %scan3A_46 = arith.constant 256 : i32
    %scan3A_47 = arith.addi %scan3A, %scan3A_46 : i32
    %scan3A_48 = arith.constant 1 : i32
    %scan3A_49 = scf.for %scan3A_51 = %scan3A to %scan3A_47 step %scan3A_48 iter_args(%scan3A_52 = %broadcast_in_dim3A_45) -> (vector<16xf32>)  : i32 {
      %mul3A_53 = arith.constant 1 : i32
      %mul3A_54 = arith.muli %scan3A_51, %mul3A_53 : i32
      %add3A_55 = arith.constant 0 : i32
      %add3A_56 = arith.addi %add3A_55, %mul3A_54 : i32
      %mul3A_57 = arith.constant 2 : i32
      %mul3A_58 = arith.muli %mul3A_57, %add3A_56 : i32
      %add3A_59 = arith.constant 0 : i32
      %add3A_60 = arith.addi %mul3A_58, %add3A_59 : i32
      %mul3A_61 = arith.constant 200 : i32
      %mul3A_62 = arith.muli %add3A_60, %mul3A_61 : i32
      %dma_wait3A = arith.constant 0 : i32
      %dma_wait3A_63 = arith.constant 0 : i32
      %dma_wait3A_64 = tpu.memref_slice %arg7[%dma_wait3A, %dma_wait3A_63] : memref<200x32xf32, #tpu.memory_space<vmem>> -> memref<104x32xf32, #tpu.memory_space<vmem>>
      %dma_wait3A_65 = tpu.memref_slice %arg6[%mul3A_62] : memref<102400xi32, #tpu.memory_space<vmem>> -> memref<104xi32, #tpu.memory_space<vmem>>
      %dma_wait3A_66 = arith.constant 0 : i32
      %dma_wait3A_67 = arith.constant 0 : i32
      %dma_wait3A_68 = tpu.memref_slice %arg2[%dma_wait3A_66, %dma_wait3A_67] : memref<100000x32xf32, #tpu.memory_space<hbm>> -> memref<100000x32xf32, #tpu.memory_space<hbm>>
      tpu.wait_indirect_dma semaphore(%arg11 : memref<!tpu.dma_semaphore, #tpu.memory_space<semaphore_mem>>) src(%dma_wait3A_68 : memref<100000x32xf32, #tpu.memory_space<hbm>>) dst(%dma_wait3A_64 : memref<104x32xf32, #tpu.memory_space<vmem>>)
      %mul3A_69 = arith.constant 200 : i32
      %mul3A_70 = arith.muli %add3A_60, %mul3A_69 : i32
      %add3A_71 = arith.constant 104 : i32
      %add3A_72 = arith.addi %mul3A_70, %add3A_71 : i32
      %dma_wait3A_73 = arith.constant 104 : i32
      %dma_wait3A_74 = arith.constant 0 : i32
      %dma_wait3A_75 = tpu.memref_slice %arg7[%dma_wait3A_73, %dma_wait3A_74] : memref<200x32xf32, #tpu.memory_space<vmem>> -> memref<96x32xf32, #tpu.memory_space<vmem>>
      %dma_wait3A_76 = tpu.memref_slice %arg6[%add3A_72] : memref<102400xi32, #tpu.memory_space<vmem>> -> memref<96xi32, #tpu.memory_space<vmem>>
      %dma_wait3A_77 = arith.constant 0 : i32
      %dma_wait3A_78 = arith.constant 0 : i32
      %dma_wait3A_79 = tpu.memref_slice %arg2[%dma_wait3A_77, %dma_wait3A_78] : memref<100000x32xf32, #tpu.memory_space<hbm>> -> memref<100000x32xf32, #tpu.memory_space<hbm>>
      tpu.wait_indirect_dma semaphore(%arg11 : memref<!tpu.dma_semaphore, #tpu.memory_space<semaphore_mem>>) src(%dma_wait3A_79 : memref<100000x32xf32, #tpu.memory_space<hbm>>) dst(%dma_wait3A_75 : memref<96x32xf32, #tpu.memory_space<vmem>>)
      %broadcast_in_dim3A_80 = arith.constant 0.000000e+00 : f32
      %broadcast_in_dim3A_81 = vector.broadcast %broadcast_in_dim3A_80 : f32 to vector<16xf32>
      %scan3A_82 = arith.constant 0 : i32
      %scan3A_83 = arith.constant 25 : i32
      %scan3A_84 = arith.addi %scan3A_82, %scan3A_83 : i32
      %scan3A_85 = arith.constant 1 : i32
      %scan3A_86:2 = scf.for %scan3A_184 = %scan3A_82 to %scan3A_84 step %scan3A_85 iter_args(%scan3A_185 = %broadcast_in_dim3A_81, %scan3A_186 = %broadcast_in_dim3A_81) -> (vector<16xf32>, vector<16xf32>)  : i32 {
        %mul3A_187 = arith.constant 8 : i32
        %mul3A_188 = arith.muli %scan3A_184, %mul3A_187 : i32
        %add3A_189 = arith.constant 0 : i32
        %add3A_190 = arith.addi %mul3A_188, %add3A_189 : i32
        %get3A_191 = arith.index_cast %add3A_190 : i32 to index
        %get3A_192 = arith.constant 0 : index
        %get3A_193 = tpu.vector_load %arg7[%get3A_191, %get3A_192] {strides = array<i32>} : memref<200x32xf32, #tpu.memory_space<vmem>>, vector<16xf32>,
        %add3A_194 = arith.addf %scan3A_185, %get3A_193 : vector<16xf32>
        %get3A_195 = arith.index_cast %add3A_190 : i32 to index
        %get3A_196 = arith.constant 16 : index
        %get3A_197 = tpu.vector_load %arg7[%get3A_195, %get3A_196] {strides = array<i32>} : memref<200x32xf32, #tpu.memory_space<vmem>>, vector<16xf32>,
        %add3A_198 = arith.addf %scan3A_186, %get3A_197 : vector<16xf32>
        %mul3A_199 = arith.constant 8 : i32
        %mul3A_200 = arith.muli %scan3A_184, %mul3A_199 : i32
        %add3A_201 = arith.constant 1 : i32
        %add3A_202 = arith.addi %mul3A_200, %add3A_201 : i32
        %get3A_203 = arith.index_cast %add3A_202 : i32 to index
        %get3A_204 = arith.constant 0 : index
        %get3A_205 = tpu.vector_load %arg7[%get3A_203, %get3A_204] {strides = array<i32>} : memref<200x32xf32, #tpu.memory_space<vmem>>, vector<16xf32>,
        %add3A_206 = arith.addf %add3A_194, %get3A_205 : vector<16xf32>
        %get3A_207 = arith.index_cast %add3A_202 : i32 to index
        %get3A_208 = arith.constant 16 : index
        %get3A_209 = tpu.vector_load %arg7[%get3A_207, %get3A_208] {strides = array<i32>} : memref<200x32xf32, #tpu.memory_space<vmem>>, vector<16xf32>,
        %add3A_210 = arith.addf %add3A_198, %get3A_209 : vector<16xf32>
        %mul3A_211 = arith.constant 8 : i32
        %mul3A_212 = arith.muli %scan3A_184, %mul3A_211 : i32
        %add3A_213 = arith.constant 2 : i32
        %add3A_214 = arith.addi %mul3A_212, %add3A_213 : i32
        %get3A_215 = arith.index_cast %add3A_214 : i32 to index
        %get3A_216 = arith.constant 0 : index
        %get3A_217 = tpu.vector_load %arg7[%get3A_215, %get3A_216] {strides = array<i32>} : memref<200x32xf32, #tpu.memory_space<vmem>>, vector<16xf32>,
        %add3A_218 = arith.addf %add3A_206, %get3A_217 : vector<16xf32>
        %get3A_219 = arith.index_cast %add3A_214 : i32 to index
        %get3A_220 = arith.constant 16 : index
        %get3A_221 = tpu.vector_load %arg7[%get3A_219, %get3A_220] {strides = array<i32>} : memref<200x32xf32, #tpu.memory_space<vmem>>, vector<16xf32>,
        %add3A_222 = arith.addf %add3A_210, %get3A_221 : vector<16xf32>
        %mul3A_223 = arith.constant 8 : i32
        %mul3A_224 = arith.muli %scan3A_184, %mul3A_223 : i32
        %add3A_225 = arith.constant 3 : i32
        %add3A_226 = arith.addi %mul3A_224, %add3A_225 : i32
        %get3A_227 = arith.index_cast %add3A_226 : i32 to index
        %get3A_228 = arith.constant 0 : index
        %get3A_229 = tpu.vector_load %arg7[%get3A_227, %get3A_228] {strides = array<i32>} : memref<200x32xf32, #tpu.memory_space<vmem>>, vector<16xf32>,
        %add3A_230 = arith.addf %add3A_218, %get3A_229 : vector<16xf32>
        %get3A_231 = arith.index_cast %add3A_226 : i32 to index
        %get3A_232 = arith.constant 16 : index
        %get3A_233 = tpu.vector_load %arg7[%get3A_231, %get3A_232] {strides = array<i32>} : memref<200x32xf32, #tpu.memory_space<vmem>>, vector<16xf32>,
        %add3A_234 = arith.addf %add3A_222, %get3A_233 : vector<16xf32>
        %mul3A_235 = arith.constant 8 : i32
        %mul3A_236 = arith.muli %scan3A_184, %mul3A_235 : i32
        %add3A_237 = arith.constant 4 : i32
        %add3A_238 = arith.addi %mul3A_236, %add3A_237 : i32
        %get3A_239 = arith.index_cast %add3A_238 : i32 to index
        %get3A_240 = arith.constant 0 : index
        %get3A_241 = tpu.vector_load %arg7[%get3A_239, %get3A_240] {strides = array<i32>} : memref<200x32xf32, #tpu.memory_space<vmem>>, vector<16xf32>,
        %add3A_242 = arith.addf %add3A_230, %get3A_241 : vector<16xf32>
        %get3A_243 = arith.index_cast %add3A_238 : i32 to index
        %get3A_244 = arith.constant 16 : index
        %get3A_245 = tpu.vector_load %arg7[%get3A_243, %get3A_244] {strides = array<i32>} : memref<200x32xf32, #tpu.memory_space<vmem>>, vector<16xf32>,
        %add3A_246 = arith.addf %add3A_234, %get3A_245 : vector<16xf32>
        %mul3A_247 = arith.constant 8 : i32
        %mul3A_248 = arith.muli %scan3A_184, %mul3A_247 : i32
        %add3A_249 = arith.constant 5 : i32
        %add3A_250 = arith.addi %mul3A_248, %add3A_249 : i32
        %get3A_251 = arith.index_cast %add3A_250 : i32 to index
        %get3A_252 = arith.constant 0 : index
        %get3A_253 = tpu.vector_load %arg7[%get3A_251, %get3A_252] {strides = array<i32>} : memref<200x32xf32, #tpu.memory_space<vmem>>, vector<16xf32>,
        %add3A_254 = arith.addf %add3A_242, %get3A_253 : vector<16xf32>
        %get3A_255 = arith.index_cast %add3A_250 : i32 to index
        %get3A_256 = arith.constant 16 : index
        %get3A_257 = tpu.vector_load %arg7[%get3A_255, %get3A_256] {strides = array<i32>} : memref<200x32xf32, #tpu.memory_space<vmem>>, vector<16xf32>,
        %add3A_258 = arith.addf %add3A_246, %get3A_257 : vector<16xf32>
        %mul3A_259 = arith.constant 8 : i32
        %mul3A_260 = arith.muli %scan3A_184, %mul3A_259 : i32
        %add3A_261 = arith.constant 6 : i32
        %add3A_262 = arith.addi %mul3A_260, %add3A_261 : i32
        %get3A_263 = arith.index_cast %add3A_262 : i32 to index
        %get3A_264 = arith.constant 0 : index
        %get3A_265 = tpu.vector_load %arg7[%get3A_263, %get3A_264] {strides = array<i32>} : memref<200x32xf32, #tpu.memory_space<vmem>>, vector<16xf32>,
        %add3A_266 = arith.addf %add3A_254, %get3A_265 : vector<16xf32>
        %get3A_267 = arith.index_cast %add3A_262 : i32 to index
        %get3A_268 = arith.constant 16 : index
        %get3A_269 = tpu.vector_load %arg7[%get3A_267, %get3A_268] {strides = array<i32>} : memref<200x32xf32, #tpu.memory_space<vmem>>, vector<16xf32>,
        %add3A_270 = arith.addf %add3A_258, %get3A_269 : vector<16xf32>
        %mul3A_271 = arith.constant 8 : i32
        %mul3A_272 = arith.muli %scan3A_184, %mul3A_271 : i32
        %add3A_273 = arith.constant 7 : i32
        %add3A_274 = arith.addi %mul3A_272, %add3A_273 : i32
        %get3A_275 = arith.index_cast %add3A_274 : i32 to index
        %get3A_276 = arith.constant 0 : index
        %get3A_277 = tpu.vector_load %arg7[%get3A_275, %get3A_276] {strides = array<i32>} : memref<200x32xf32, #tpu.memory_space<vmem>>, vector<16xf32>,
        %add3A_278 = arith.addf %add3A_266, %get3A_277 : vector<16xf32>
        %get3A_279 = arith.index_cast %add3A_274 : i32 to index
        %get3A_280 = arith.constant 16 : index
        %get3A_281 = tpu.vector_load %arg7[%get3A_279, %get3A_280] {strides = array<i32>} : memref<200x32xf32, #tpu.memory_space<vmem>>, vector<16xf32>,
        %add3A_282 = arith.addf %add3A_270, %get3A_281 : vector<16xf32>
        scf.yield %add3A_278, %add3A_282 : vector<16xf32>, vector<16xf32>
      }
      %scan3A_87 = arith.constant 25 : i32
      %add3A_88 = arith.addf %scan3A_86#0, %get3A_5 : vector<16xf32>
      %max3A = arith.constant 0.000000e+00 : f32
      %max3A_89 = vector.broadcast %max3A : f32 to vector<16xf32>
      %max3A_90 = arith.maximumf %add3A_88, %max3A_89 : vector<16xf32>
      %mul3A_91 = arith.mulf %max3A_90, %get3A_9 : vector<16xf32>
      %add3A_92 = arith.addf %scan3A_86#1, %get3A_7 : vector<16xf32>
      %max3A_93 = arith.constant 0.000000e+00 : f32
      %max3A_94 = vector.broadcast %max3A_93 : f32 to vector<16xf32>
      %max3A_95 = arith.maximumf %add3A_92, %max3A_94 : vector<16xf32>
      %mul3A_96 = arith.mulf %max3A_95, %get3A_11 : vector<16xf32>
      %add3A_97 = arith.addf %mul3A_91, %mul3A_96 : vector<16xf32>
      %reduce_sum3A = arith.constant true
      %reduce_sum3A_98 = vector.broadcast %reduce_sum3A : i1 to vector<16xi1>
      %reduce_sum3A_99 = tpu.scan <sum>, %add3A_97 masked %reduce_sum3A_98 : vector<16xf32>, vector<16xi1> -> vector<16xf32>
      %reduce_sum3A_100 = vector.extract %reduce_sum3A_99[15] : f32 from vector<16xf32>
      %add3A_101 = arith.addf %reduce_sum3A_100, %squeeze3A : f32
      %and3A = arith.constant 15 : i32
      %and3A_102 = arith.andi %add3A_60, %and3A : i32
      %eq3A = vector.broadcast %and3A_102 : i32 to vector<16xi32>
      %eq3A_103 = arith.cmpi eq, %iota3A, %eq3A : vector<16xi32>
      %broadcast_in_dim3A_104 = vector.broadcast %add3A_101 : f32 to vector<16xf32>
      %select_n3A = arith.select %eq3A_103, %broadcast_in_dim3A_104, %scan3A_52 : vector<16xi1>, vector<16xf32>
      %and3A_105 = arith.constant 15 : i32
      %and3A_106 = arith.andi %add3A_60, %and3A_105 : i32
      %eq3A_107 = arith.constant 15 : i32
      %eq3A_108 = arith.cmpi eq, %and3A_106, %eq3A_107 : i32
      %convert_element_type3A = arith.extui %eq3A_108 : i1 to i32
      %cond3A = arith.constant 0 : i32
      %cond3A_109 = arith.cmpi ne, %convert_element_type3A, %cond3A : i32
      scf.if %cond3A_109 {
        %sub3A = arith.constant 15 : i32
        %sub3A_184 = arith.subi %add3A_60, %sub3A : i32
        %swap3A = arith.index_cast %sub3A_184 : i32 to index
        %swap3A_185 = tpu.vector_load %arg9[%swap3A] {strides = array<i32>} : memref<512xf32, #tpu.memory_space<vmem>>, vector<16xf32>,
        tpu.vector_store %arg9[%swap3A], %select_n3A {strides = array<i32>} : memref<512xf32, #tpu.memory_space<vmem>>, vector<16xf32>,
      } else {
      }
      %add3A_110 = arith.constant 2 : i32
      %add3A_111 = arith.addi %add3A_60, %add3A_110 : i32
      %lt3A = arith.constant 512 : i32
      %lt3A_112 = arith.cmpi slt, %add3A_111, %lt3A : i32
      %convert_element_type3A_113 = arith.extui %lt3A_112 : i1 to i32
      %cond3A_114 = arith.constant 0 : i32
      %cond3A_115 = arith.cmpi ne, %convert_element_type3A_113, %cond3A_114 : i32
      scf.if %cond3A_115 {
        %mul3A_184 = arith.constant 200 : i32
        %mul3A_185 = arith.muli %add3A_111, %mul3A_184 : i32
        %dma_start3A_186 = arith.constant 0 : i32
        %dma_start3A_187 = arith.constant 0 : i32
        %dma_start3A_188 = tpu.memref_slice %arg7[%dma_start3A_186, %dma_start3A_187] : memref<200x32xf32, #tpu.memory_space<vmem>> -> memref<104x32xf32, #tpu.memory_space<vmem>>
        %dma_start3A_189 = tpu.memref_slice %arg6[%mul3A_185] : memref<102400xi32, #tpu.memory_space<vmem>> -> memref<104xi32, #tpu.memory_space<vmem>>
        %dma_start3A_190 = arith.constant 0 : i32
        %dma_start3A_191 = arith.constant 0 : i32
        %dma_start3A_192 = tpu.memref_slice %arg2[%dma_start3A_190, %dma_start3A_191] : memref<100000x32xf32, #tpu.memory_space<hbm>> -> memref<100000x32xf32, #tpu.memory_space<hbm>>
        tpu.enqueue_indirect_dma source(%dma_start3A_192 : memref<100000x32xf32, #tpu.memory_space<hbm>>) target(%dma_start3A_188 : memref<104x32xf32, #tpu.memory_space<vmem>>) offsets(%dma_start3A_189 : memref<104xi32, #tpu.memory_space<vmem>>) semaphore(%arg11 : memref<!tpu.dma_semaphore, #tpu.memory_space<semaphore_mem>>)
        %mul3A_193 = arith.constant 200 : i32
        %mul3A_194 = arith.muli %add3A_111, %mul3A_193 : i32
        %add3A_195 = arith.constant 104 : i32
        %add3A_196 = arith.addi %mul3A_194, %add3A_195 : i32
        %dma_start3A_197 = arith.constant 104 : i32
        %dma_start3A_198 = arith.constant 0 : i32
        %dma_start3A_199 = tpu.memref_slice %arg7[%dma_start3A_197, %dma_start3A_198] : memref<200x32xf32, #tpu.memory_space<vmem>> -> memref<96x32xf32, #tpu.memory_space<vmem>>
        %dma_start3A_200 = tpu.memref_slice %arg6[%add3A_196] : memref<102400xi32, #tpu.memory_space<vmem>> -> memref<96xi32, #tpu.memory_space<vmem>>
        %dma_start3A_201 = arith.constant 0 : i32
        %dma_start3A_202 = arith.constant 0 : i32
        %dma_start3A_203 = tpu.memref_slice %arg2[%dma_start3A_201, %dma_start3A_202] : memref<100000x32xf32, #tpu.memory_space<hbm>> -> memref<100000x32xf32, #tpu.memory_space<hbm>>
        tpu.enqueue_indirect_dma source(%dma_start3A_203 : memref<100000x32xf32, #tpu.memory_space<hbm>>) target(%dma_start3A_199 : memref<96x32xf32, #tpu.memory_space<vmem>>) offsets(%dma_start3A_200 : memref<96xi32, #tpu.memory_space<vmem>>) semaphore(%arg11 : memref<!tpu.dma_semaphore, #tpu.memory_space<semaphore_mem>>)
      } else {
      }
      %mul3A_116 = arith.constant 2 : i32
      %mul3A_117 = arith.muli %mul3A_116, %add3A_56 : i32
      %add3A_118 = arith.constant 1 : i32
      %add3A_119 = arith.addi %mul3A_117, %add3A_118 : i32
      %mul3A_120 = arith.constant 200 : i32
      %mul3A_121 = arith.muli %add3A_119, %mul3A_120 : i32
      %dma_wait3A_122 = arith.constant 0 : i32
      %dma_wait3A_123 = arith.constant 0 : i32
      %dma_wait3A_124 = tpu.memref_slice %arg8[%dma_wait3A_122, %dma_wait3A_123] : memref<200x32xf32, #tpu.memory_space<vmem>> -> memref<104x32xf32, #tpu.memory_space<vmem>>
      %dma_wait3A_125 = tpu.memref_slice %arg6[%mul3A_121] : memref<102400xi32, #tpu.memory_space<vmem>> -> memref<104xi32, #tpu.memory_space<vmem>>
      %dma_wait3A_126 = arith.constant 0 : i32
      %dma_wait3A_127 = arith.constant 0 : i32
      %dma_wait3A_128 = tpu.memref_slice %arg2[%dma_wait3A_126, %dma_wait3A_127] : memref<100000x32xf32, #tpu.memory_space<hbm>> -> memref<100000x32xf32, #tpu.memory_space<hbm>>
      tpu.wait_indirect_dma semaphore(%arg12 : memref<!tpu.dma_semaphore, #tpu.memory_space<semaphore_mem>>) src(%dma_wait3A_128 : memref<100000x32xf32, #tpu.memory_space<hbm>>) dst(%dma_wait3A_124 : memref<104x32xf32, #tpu.memory_space<vmem>>)
      %mul3A_129 = arith.constant 200 : i32
      %mul3A_130 = arith.muli %add3A_119, %mul3A_129 : i32
      %add3A_131 = arith.constant 104 : i32
      %add3A_132 = arith.addi %mul3A_130, %add3A_131 : i32
      %dma_wait3A_133 = arith.constant 104 : i32
      %dma_wait3A_134 = arith.constant 0 : i32
      %dma_wait3A_135 = tpu.memref_slice %arg8[%dma_wait3A_133, %dma_wait3A_134] : memref<200x32xf32, #tpu.memory_space<vmem>> -> memref<96x32xf32, #tpu.memory_space<vmem>>
      %dma_wait3A_136 = tpu.memref_slice %arg6[%add3A_132] : memref<102400xi32, #tpu.memory_space<vmem>> -> memref<96xi32, #tpu.memory_space<vmem>>
      %dma_wait3A_137 = arith.constant 0 : i32
      %dma_wait3A_138 = arith.constant 0 : i32
      %dma_wait3A_139 = tpu.memref_slice %arg2[%dma_wait3A_137, %dma_wait3A_138] : memref<100000x32xf32, #tpu.memory_space<hbm>> -> memref<100000x32xf32, #tpu.memory_space<hbm>>
      tpu.wait_indirect_dma semaphore(%arg12 : memref<!tpu.dma_semaphore, #tpu.memory_space<semaphore_mem>>) src(%dma_wait3A_139 : memref<100000x32xf32, #tpu.memory_space<hbm>>) dst(%dma_wait3A_135 : memref<96x32xf32, #tpu.memory_space<vmem>>)
      %broadcast_in_dim3A_140 = arith.constant 0.000000e+00 : f32
      %broadcast_in_dim3A_141 = vector.broadcast %broadcast_in_dim3A_140 : f32 to vector<16xf32>
      %scan3A_142 = arith.constant 0 : i32
      %scan3A_143 = arith.constant 25 : i32
      %scan3A_144 = arith.addi %scan3A_142, %scan3A_143 : i32
      %scan3A_145 = arith.constant 1 : i32
      %scan3A_146:2 = scf.for %scan3A_184 = %scan3A_142 to %scan3A_144 step %scan3A_145 iter_args(%scan3A_185 = %broadcast_in_dim3A_141, %scan3A_186 = %broadcast_in_dim3A_141) -> (vector<16xf32>, vector<16xf32>)  : i32 {
        %mul3A_187 = arith.constant 8 : i32
        %mul3A_188 = arith.muli %scan3A_184, %mul3A_187 : i32
        %add3A_189 = arith.constant 0 : i32
        %add3A_190 = arith.addi %mul3A_188, %add3A_189 : i32
        %get3A_191 = arith.index_cast %add3A_190 : i32 to index
        %get3A_192 = arith.constant 0 : index
        %get3A_193 = tpu.vector_load %arg8[%get3A_191, %get3A_192] {strides = array<i32>} : memref<200x32xf32, #tpu.memory_space<vmem>>, vector<16xf32>,
        %add3A_194 = arith.addf %scan3A_185, %get3A_193 : vector<16xf32>
        %get3A_195 = arith.index_cast %add3A_190 : i32 to index
        %get3A_196 = arith.constant 16 : index
        %get3A_197 = tpu.vector_load %arg8[%get3A_195, %get3A_196] {strides = array<i32>} : memref<200x32xf32, #tpu.memory_space<vmem>>, vector<16xf32>,
        %add3A_198 = arith.addf %scan3A_186, %get3A_197 : vector<16xf32>
        %mul3A_199 = arith.constant 8 : i32
        %mul3A_200 = arith.muli %scan3A_184, %mul3A_199 : i32
        %add3A_201 = arith.constant 1 : i32
        %add3A_202 = arith.addi %mul3A_200, %add3A_201 : i32
        %get3A_203 = arith.index_cast %add3A_202 : i32 to index
        %get3A_204 = arith.constant 0 : index
        %get3A_205 = tpu.vector_load %arg8[%get3A_203, %get3A_204] {strides = array<i32>} : memref<200x32xf32, #tpu.memory_space<vmem>>, vector<16xf32>,
        %add3A_206 = arith.addf %add3A_194, %get3A_205 : vector<16xf32>
        %get3A_207 = arith.index_cast %add3A_202 : i32 to index
        %get3A_208 = arith.constant 16 : index
        %get3A_209 = tpu.vector_load %arg8[%get3A_207, %get3A_208] {strides = array<i32>} : memref<200x32xf32, #tpu.memory_space<vmem>>, vector<16xf32>,
        %add3A_210 = arith.addf %add3A_198, %get3A_209 : vector<16xf32>
        %mul3A_211 = arith.constant 8 : i32
        %mul3A_212 = arith.muli %scan3A_184, %mul3A_211 : i32
        %add3A_213 = arith.constant 2 : i32
        %add3A_214 = arith.addi %mul3A_212, %add3A_213 : i32
        %get3A_215 = arith.index_cast %add3A_214 : i32 to index
        %get3A_216 = arith.constant 0 : index
        %get3A_217 = tpu.vector_load %arg8[%get3A_215, %get3A_216] {strides = array<i32>} : memref<200x32xf32, #tpu.memory_space<vmem>>, vector<16xf32>,
        %add3A_218 = arith.addf %add3A_206, %get3A_217 : vector<16xf32>
        %get3A_219 = arith.index_cast %add3A_214 : i32 to index
        %get3A_220 = arith.constant 16 : index
        %get3A_221 = tpu.vector_load %arg8[%get3A_219, %get3A_220] {strides = array<i32>} : memref<200x32xf32, #tpu.memory_space<vmem>>, vector<16xf32>,
        %add3A_222 = arith.addf %add3A_210, %get3A_221 : vector<16xf32>
        %mul3A_223 = arith.constant 8 : i32
        %mul3A_224 = arith.muli %scan3A_184, %mul3A_223 : i32
        %add3A_225 = arith.constant 3 : i32
        %add3A_226 = arith.addi %mul3A_224, %add3A_225 : i32
        %get3A_227 = arith.index_cast %add3A_226 : i32 to index
        %get3A_228 = arith.constant 0 : index
        %get3A_229 = tpu.vector_load %arg8[%get3A_227, %get3A_228] {strides = array<i32>} : memref<200x32xf32, #tpu.memory_space<vmem>>, vector<16xf32>,
        %add3A_230 = arith.addf %add3A_218, %get3A_229 : vector<16xf32>
        %get3A_231 = arith.index_cast %add3A_226 : i32 to index
        %get3A_232 = arith.constant 16 : index
        %get3A_233 = tpu.vector_load %arg8[%get3A_231, %get3A_232] {strides = array<i32>} : memref<200x32xf32, #tpu.memory_space<vmem>>, vector<16xf32>,
        %add3A_234 = arith.addf %add3A_222, %get3A_233 : vector<16xf32>
        %mul3A_235 = arith.constant 8 : i32
        %mul3A_236 = arith.muli %scan3A_184, %mul3A_235 : i32
        %add3A_237 = arith.constant 4 : i32
        %add3A_238 = arith.addi %mul3A_236, %add3A_237 : i32
        %get3A_239 = arith.index_cast %add3A_238 : i32 to index
        %get3A_240 = arith.constant 0 : index
        %get3A_241 = tpu.vector_load %arg8[%get3A_239, %get3A_240] {strides = array<i32>} : memref<200x32xf32, #tpu.memory_space<vmem>>, vector<16xf32>,
        %add3A_242 = arith.addf %add3A_230, %get3A_241 : vector<16xf32>
        %get3A_243 = arith.index_cast %add3A_238 : i32 to index
        %get3A_244 = arith.constant 16 : index
        %get3A_245 = tpu.vector_load %arg8[%get3A_243, %get3A_244] {strides = array<i32>} : memref<200x32xf32, #tpu.memory_space<vmem>>, vector<16xf32>,
        %add3A_246 = arith.addf %add3A_234, %get3A_245 : vector<16xf32>
        %mul3A_247 = arith.constant 8 : i32
        %mul3A_248 = arith.muli %scan3A_184, %mul3A_247 : i32
        %add3A_249 = arith.constant 5 : i32
        %add3A_250 = arith.addi %mul3A_248, %add3A_249 : i32
        %get3A_251 = arith.index_cast %add3A_250 : i32 to index
        %get3A_252 = arith.constant 0 : index
        %get3A_253 = tpu.vector_load %arg8[%get3A_251, %get3A_252] {strides = array<i32>} : memref<200x32xf32, #tpu.memory_space<vmem>>, vector<16xf32>,
        %add3A_254 = arith.addf %add3A_242, %get3A_253 : vector<16xf32>
        %get3A_255 = arith.index_cast %add3A_250 : i32 to index
        %get3A_256 = arith.constant 16 : index
        %get3A_257 = tpu.vector_load %arg8[%get3A_255, %get3A_256] {strides = array<i32>} : memref<200x32xf32, #tpu.memory_space<vmem>>, vector<16xf32>,
        %add3A_258 = arith.addf %add3A_246, %get3A_257 : vector<16xf32>
        %mul3A_259 = arith.constant 8 : i32
        %mul3A_260 = arith.muli %scan3A_184, %mul3A_259 : i32
        %add3A_261 = arith.constant 6 : i32
        %add3A_262 = arith.addi %mul3A_260, %add3A_261 : i32
        %get3A_263 = arith.index_cast %add3A_262 : i32 to index
        %get3A_264 = arith.constant 0 : index
        %get3A_265 = tpu.vector_load %arg8[%get3A_263, %get3A_264] {strides = array<i32>} : memref<200x32xf32, #tpu.memory_space<vmem>>, vector<16xf32>,
        %add3A_266 = arith.addf %add3A_254, %get3A_265 : vector<16xf32>
        %get3A_267 = arith.index_cast %add3A_262 : i32 to index
        %get3A_268 = arith.constant 16 : index
        %get3A_269 = tpu.vector_load %arg8[%get3A_267, %get3A_268] {strides = array<i32>} : memref<200x32xf32, #tpu.memory_space<vmem>>, vector<16xf32>,
        %add3A_270 = arith.addf %add3A_258, %get3A_269 : vector<16xf32>
        %mul3A_271 = arith.constant 8 : i32
        %mul3A_272 = arith.muli %scan3A_184, %mul3A_271 : i32
        %add3A_273 = arith.constant 7 : i32
        %add3A_274 = arith.addi %mul3A_272, %add3A_273 : i32
        %get3A_275 = arith.index_cast %add3A_274 : i32 to index
        %get3A_276 = arith.constant 0 : index
        %get3A_277 = tpu.vector_load %arg8[%get3A_275, %get3A_276] {strides = array<i32>} : memref<200x32xf32, #tpu.memory_space<vmem>>, vector<16xf32>,
        %add3A_278 = arith.addf %add3A_266, %get3A_277 : vector<16xf32>
        %get3A_279 = arith.index_cast %add3A_274 : i32 to index
        %get3A_280 = arith.constant 16 : index
        %get3A_281 = tpu.vector_load %arg8[%get3A_279, %get3A_280] {strides = array<i32>} : memref<200x32xf32, #tpu.memory_space<vmem>>, vector<16xf32>,
        %add3A_282 = arith.addf %add3A_270, %get3A_281 : vector<16xf32>
        scf.yield %add3A_278, %add3A_282 : vector<16xf32>, vector<16xf32>
      }
      %scan3A_147 = arith.constant 25 : i32
      %add3A_148 = arith.addf %scan3A_146#0, %get3A_5 : vector<16xf32>
      %max3A_149 = arith.constant 0.000000e+00 : f32
      %max3A_150 = vector.broadcast %max3A_149 : f32 to vector<16xf32>
      %max3A_151 = arith.maximumf %add3A_148, %max3A_150 : vector<16xf32>
      %mul3A_152 = arith.mulf %max3A_151, %get3A_9 : vector<16xf32>
      %add3A_153 = arith.addf %scan3A_146#1, %get3A_7 : vector<16xf32>
      %max3A_154 = arith.constant 0.000000e+00 : f32
      %max3A_155 = vector.broadcast %max3A_154 : f32 to vector<16xf32>
      %max3A_156 = arith.maximumf %add3A_153, %max3A_155 : vector<16xf32>
      %mul3A_157 = arith.mulf %max3A_156, %get3A_11 : vector<16xf32>
      %add3A_158 = arith.addf %mul3A_152, %mul3A_157 : vector<16xf32>
      %reduce_sum3A_159 = arith.constant true
      %reduce_sum3A_160 = vector.broadcast %reduce_sum3A_159 : i1 to vector<16xi1>
      %reduce_sum3A_161 = tpu.scan <sum>, %add3A_158 masked %reduce_sum3A_160 : vector<16xf32>, vector<16xi1> -> vector<16xf32>
      %reduce_sum3A_162 = vector.extract %reduce_sum3A_161[15] : f32 from vector<16xf32>
      %add3A_163 = arith.addf %reduce_sum3A_162, %squeeze3A : f32
      %and3A_164 = arith.constant 15 : i32
      %and3A_165 = arith.andi %add3A_119, %and3A_164 : i32
      %eq3A_166 = vector.broadcast %and3A_165 : i32 to vector<16xi32>
      %eq3A_167 = arith.cmpi eq, %iota3A, %eq3A_166 : vector<16xi32>
      %broadcast_in_dim3A_168 = vector.broadcast %add3A_163 : f32 to vector<16xf32>
      %select_n3A_169 = arith.select %eq3A_167, %broadcast_in_dim3A_168, %select_n3A : vector<16xi1>, vector<16xf32>
      %and3A_170 = arith.constant 15 : i32
      %and3A_171 = arith.andi %add3A_119, %and3A_170 : i32
      %eq3A_172 = arith.constant 15 : i32
      %eq3A_173 = arith.cmpi eq, %and3A_171, %eq3A_172 : i32
      %convert_element_type3A_174 = arith.extui %eq3A_173 : i1 to i32
      %cond3A_175 = arith.constant 0 : i32
      %cond3A_176 = arith.cmpi ne, %convert_element_type3A_174, %cond3A_175 : i32
      scf.if %cond3A_176 {
        %sub3A = arith.constant 15 : i32
        %sub3A_184 = arith.subi %add3A_119, %sub3A : i32
        %swap3A = arith.index_cast %sub3A_184 : i32 to index
        %swap3A_185 = tpu.vector_load %arg9[%swap3A] {strides = array<i32>} : memref<512xf32, #tpu.memory_space<vmem>>, vector<16xf32>,
        tpu.vector_store %arg9[%swap3A], %select_n3A_169 {strides = array<i32>} : memref<512xf32, #tpu.memory_space<vmem>>, vector<16xf32>,
      } else {
      }
      %add3A_177 = arith.constant 2 : i32
      %add3A_178 = arith.addi %add3A_119, %add3A_177 : i32
      %lt3A_179 = arith.constant 512 : i32
      %lt3A_180 = arith.cmpi slt, %add3A_178, %lt3A_179 : i32
      %convert_element_type3A_181 = arith.extui %lt3A_180 : i1 to i32
      %cond3A_182 = arith.constant 0 : i32
      %cond3A_183 = arith.cmpi ne, %convert_element_type3A_181, %cond3A_182 : i32
      scf.if %cond3A_183 {
        %mul3A_184 = arith.constant 200 : i32
        %mul3A_185 = arith.muli %add3A_178, %mul3A_184 : i32
        %dma_start3A_186 = arith.constant 0 : i32
        %dma_start3A_187 = arith.constant 0 : i32
        %dma_start3A_188 = tpu.memref_slice %arg8[%dma_start3A_186, %dma_start3A_187] : memref<200x32xf32, #tpu.memory_space<vmem>> -> memref<104x32xf32, #tpu.memory_space<vmem>>
        %dma_start3A_189 = tpu.memref_slice %arg6[%mul3A_185] : memref<102400xi32, #tpu.memory_space<vmem>> -> memref<104xi32, #tpu.memory_space<vmem>>
        %dma_start3A_190 = arith.constant 0 : i32
        %dma_start3A_191 = arith.constant 0 : i32
        %dma_start3A_192 = tpu.memref_slice %arg2[%dma_start3A_190, %dma_start3A_191] : memref<100000x32xf32, #tpu.memory_space<hbm>> -> memref<100000x32xf32, #tpu.memory_space<hbm>>
        tpu.enqueue_indirect_dma source(%dma_start3A_192 : memref<100000x32xf32, #tpu.memory_space<hbm>>) target(%dma_start3A_188 : memref<104x32xf32, #tpu.memory_space<vmem>>) offsets(%dma_start3A_189 : memref<104xi32, #tpu.memory_space<vmem>>) semaphore(%arg12 : memref<!tpu.dma_semaphore, #tpu.memory_space<semaphore_mem>>)
        %mul3A_193 = arith.constant 200 : i32
        %mul3A_194 = arith.muli %add3A_178, %mul3A_193 : i32
        %add3A_195 = arith.constant 104 : i32
        %add3A_196 = arith.addi %mul3A_194, %add3A_195 : i32
        %dma_start3A_197 = arith.constant 104 : i32
        %dma_start3A_198 = arith.constant 0 : i32
        %dma_start3A_199 = tpu.memref_slice %arg8[%dma_start3A_197, %dma_start3A_198] : memref<200x32xf32, #tpu.memory_space<vmem>> -> memref<96x32xf32, #tpu.memory_space<vmem>>
        %dma_start3A_200 = tpu.memref_slice %arg6[%add3A_196] : memref<102400xi32, #tpu.memory_space<vmem>> -> memref<96xi32, #tpu.memory_space<vmem>>
        %dma_start3A_201 = arith.constant 0 : i32
        %dma_start3A_202 = arith.constant 0 : i32
        %dma_start3A_203 = tpu.memref_slice %arg2[%dma_start3A_201, %dma_start3A_202] : memref<100000x32xf32, #tpu.memory_space<hbm>> -> memref<100000x32xf32, #tpu.memory_space<hbm>>
        tpu.enqueue_indirect_dma source(%dma_start3A_203 : memref<100000x32xf32, #tpu.memory_space<hbm>>) target(%dma_start3A_199 : memref<96x32xf32, #tpu.memory_space<vmem>>) offsets(%dma_start3A_200 : memref<96xi32, #tpu.memory_space<vmem>>) semaphore(%arg12 : memref<!tpu.dma_semaphore, #tpu.memory_space<semaphore_mem>>)
      } else {
      }
      scf.yield %select_n3A_169 : vector<16xf32>
    }
    %scan3A_50 = arith.constant 256 : i32
    "tpu.region"() ({
      %run_scoped3A = tpu.sem_alloc : memref<!tpu.dma_semaphore, #tpu.memory_space<semaphore_mem>>
      %dma_start3A_51 = tpu.memref_slice %arg5[%mul3A_2] : memref<16384xf32, #tpu.memory_space<hbm>> -> memref<512xf32, #tpu.memory_space<hbm>>
      %dma_start3A_52 = tpu.memref_slice %arg5[%mul3A_2] : memref<16384xf32, #tpu.memory_space<hbm>> -> memref<512xf32, #tpu.memory_space<hbm>>
      tpu.enqueue_dma source(%arg9 : memref<512xf32, #tpu.memory_space<vmem>>) target(%dma_start3A_52 : memref<512xf32, #tpu.memory_space<hbm>>) target_semaphore(%run_scoped3A : memref<!tpu.dma_semaphore, #tpu.memory_space<semaphore_mem>>)
      %dma_wait3A = tpu.memref_slice %arg5[%mul3A_2] : memref<16384xf32, #tpu.memory_space<hbm>> -> memref<512xf32, #tpu.memory_space<hbm>>
      %dma_wait3A_53 = tpu.memref_slice %arg5[%mul3A_2] : memref<16384xf32, #tpu.memory_space<hbm>> -> memref<512xf32, #tpu.memory_space<hbm>>
      tpu.wait_dma2 semaphore(%run_scoped3A : memref<!tpu.dma_semaphore, #tpu.memory_space<semaphore_mem>>) src(%arg9 : memref<512xf32, #tpu.memory_space<vmem>>) dst(%dma_wait3A_53 : memref<512xf32, #tpu.memory_space<hbm>>)
      tpu.yield
    }) : () -> ()
    return
  }
}

module attributes {stable_mosaic.version = 14 : i64} {
  func.func @_table_body(%arg0: i32, %arg1: memref<1000x50xf32, #tpu.memory_space<vmem>>, %arg2: memref<50x32xf32, #tpu.memory_space<vmem>>, %arg3: memref<1000x32xf32, #tpu.memory_space<vmem>>) attributes {dimension_semantics = [#tpu.dimension_semantics<arbitrary>], iteration_bounds = array<i64: 100>, scalar_prefetch = 0 : i64, scratch_operands = 0 : i64, tpu.core_type = #tpu.core_type<tc>, window_params = [{transform_indices = @transform_0, window_bounds = array<i64: 1000, 50>}, {pipeline_mode = #tpu.pipeline_mode<synchronous>, transform_indices = @transform_1, window_bounds = array<i64: 50, 32>}, {transform_indices = @transform_2, window_bounds = array<i64: 1000, 32>}]} {
    %get3A = arith.constant 0 : index
    %get3A_0 = arith.constant 0 : index
    %get3A_1 = vector.load %arg1[%get3A, %get3A_0] : memref<1000x50xf32, #tpu.memory_space<vmem>>, vector<1000x50xf32>
    %get3A_2 = arith.constant 0 : index
    %get3A_3 = arith.constant 0 : index
    %get3A_4 = vector.load %arg2[%get3A_2, %get3A_3] : memref<50x32xf32, #tpu.memory_space<vmem>>, vector<50x32xf32>
    %dot_general3A = arith.constant dense<0.000000e+00> : vector<1000x32xf32>
    %dot_general3A_5 = tpu.matmul %get3A_1, %get3A_4, %dot_general3A {dimension_numbers = #tpu.dot_dimension_numbers<[1], [0], [0], [1], [0, 0, 1, 1], [], []>, transpose_lhs_hint = false} : vector<1000x50xf32>, vector<50x32xf32>, vector<1000x32xf32> -> vector<1000x32xf32>
    %mul3A = arith.constant 5.000000e-03 : f32
    %mul3A_6 = vector.broadcast %mul3A : f32 to vector<1000x32xf32>
    %mul3A_7 = arith.mulf %dot_general3A_5, %mul3A_6 : vector<1000x32xf32>
    %swap3A = arith.constant 0 : index
    %swap3A_8 = arith.constant 0 : index
    %swap3A_9 = vector.load %arg3[%swap3A, %swap3A_8] : memref<1000x32xf32, #tpu.memory_space<vmem>>, vector<1000x32xf32>
    tpu.vector_store %arg3[%swap3A, %swap3A_8], %mul3A_7 {strides = array<i32>} : memref<1000x32xf32, #tpu.memory_space<vmem>>, vector<1000x32xf32>,
    return
  }
  func.func @transform_0(%arg0: i32) -> (i32, i32) {
    %c0_i32 = arith.constant 0 : i32
    %c0_i32_0 = arith.constant 0 : i32
    return %arg0, %c0_i32 : i32, i32
  }
  func.func @transform_1(%arg0: i32) -> (i32, i32) {
    %c0_i32 = arith.constant 0 : i32
    %c0_i32_0 = arith.constant 0 : i32
    %c0_i32_1 = arith.constant 0 : i32
    return %c0_i32, %c0_i32_0 : i32, i32
  }
  func.func @transform_2(%arg0: i32) -> (i32, i32) {
    %c0_i32 = arith.constant 0 : i32
    %c0_i32_0 = arith.constant 0 : i32
    return %arg0, %c0_i32 : i32, i32
  }
}

</mosaic_0001>

<sc_bundles>
// kernel: kernel.4.cloned.1.call-start
scs
__scs_entry_jumppad:
0x0: {  	(pc) =	sbr.rel $0x88, $3  }
0x1: {  	(tag) =	ssettag $0x0;
	lr =	simm.s32 $0x1  }
0x2: {  	[smem:$0x3F9B] =	sst lr;
	_ =	strace $0xD0000000  }
0x3: {  	_ = 	snop  }
0x4: {  	_ = 	snop  }
0x5: {  	_ = 	snop  }
0x6: {  	_ = 	snop  }
0x7: {  	_ = 	snop  }
__scs_overlays_trampoline_lowered:
0x8: {  	[smem:$0x3FAA] =	sst s0  }
0x9: {  	[smem:$0x3FAB] =	sst s1  }
0xa: {  	[smem:$0x3FAC] =	sst s2  }
0xb: {  	[smem:$0x3FAD] =	sst s3  }
0xc: {  	[smem:$0x3FAE] =	sst s4  }
0xd: {  	[smem:$0x3FAF] =	sst s5  }
0xe: {  	[smem:$0x3FB0] =	sst s6  }
0xf: {  	[smem:$0x3FB1] =	sst s7  }
0x10: {  	[smem:$0x3FB2] =	sst s8  }
0x11: {  	[smem:$0x3FB3] =	sst s9;
	s0 =	simm.s32 @!p0 $0x0  }
0x12: {  	s1 =	sld [smem:$0x3F99];
	s0 =	simm.s32 @p0 $0x1  }
0x13: {  	[smem:$0x3FB4] =	sst s0;
	s0 =	simm.s32 @!p1 $0x0  }
0x14: {  	s2 =	sld [smem:$0x3F98];
	s0 =	simm.s32 @p1 $0x1  }
0x15: {  	[smem:$0x3FB5] =	sst s0;
	s0 =	simm.s32 @!p2 $0x0  }
0x16: {  	s3 =	sld [smem:$0x3FDB];
	s0 =	simm.s32 @p2 $0x1  }
0x17: {  	s4 =	simm.s32 $0x1BF5;
	[smem:$0x3FB7] =	sst s0  }
0x18: {  	s0 =	sld [smem:$0x3F9A];
	_ =	swait.ge [sflag:s4], $0x0  }
0x19: {  	s7 =	sld [smem:$0x3F9B]  }
0x1a: {  	s8 =	sadd.s32 $0xFFFFE003, lr  }
0x1b: {  	s9 =	sadd.s32 $0xFFFFFEF7, lr;
	s5 =	simm.s32 $0xFFFFFFFF;
	p2 =	slt.u32 s8, $0xFFFFF086  }
0x1c: {  	p1 =	slt.u32 s9, $0xF7A;
	s5 =	simm.s32 @!p2 $0x0  }
0x1d: {  	s5 =	simm.s32 @p1 $0x1;
	p0 =	seq.s32 s7, s2  }
0x1e: {  	s7 =	smul.u32 @!p0 $0xF7A, s2;
	p2 =	seq.s32 @!p0 s5, $0x0  }
0x1f: {  	s9 =	smul.u32 $0xF7A, s1;
	s8 =	simm.s32 @!p0 $0x1BF5;
	p2 =	por !p2, p0  }
0x20: {  	[sflag:s8] =	ssyncset.s32 @!p0 $0xFFFFF086;
	s6 =	sadd.s32 @!p0 s3, s7;
	s7 =	simm.s32 @!p0 $0x108  }
0x21: {  	s3 =	sadd.s32 s3, s9;
	s6 =	sadd.s32 @!p0 $0x88, s6;
	s7 =	simm.s32 @p2 $0x1082  }
0x22: {  	[simem:s7], [sflag:s8] =	dma.local @!p0 [hbm:s6], $0xF7A  }
0x23: {  	s9 =	sor.u32 $0xD0000000, s2;
	s6 =	simm.s32 $0x108;
	_ =	swait.ge @!p0 [sflag:s8], $0x0  }
0x24: {  	s3 =	sadd.s32 $0x88, s3;
	s6 =	simm.s32 @!p1 $0x1082;
	[sflag:s4] =	ssyncset.s32 $0xFFFFF086  }
0x25: {  	[simem:s6], [sflag:s4] =	dma.local [hbm:s3], $0xF7A  }
0x26: {  	[smem:$0x3F9B] =	sst s1;
	(tag) =	ssettag s2;
	_ =	strace s9  }
0x27: {  	s1 =	sld [smem:$0x3FAB]  }
0x28: {  	s2 =	sld [smem:$0x3FAC]  }
0x29: {  	s4 =	sld [smem:$0x3FAE]  }
0x2a: {  	p0 =	seq.s32 s5, $0x0;
	s5 =	sld [smem:$0x3FAF]  }
0x2b: {  	s6 =	sld [smem:$0x3FB0]  }
0x2c: {  	s7 =	sld [smem:$0x3FB1]  }
0x2d: {  	s3 =	simm.s32 $0x108;
	s8 =	sld [smem:$0x3FB2]  }
0x2e: {  	s3 =	simm.s32 @!p0 $0x1082;
	s9 =	sld [smem:$0x3FB3]  }
0x2f: {  	lr =	sadd.s32 s0, s3;
	s0 =	sld [smem:$0x3FAA]  }
0x30: {  	s3 =	sld [smem:$0x3FAD]  }
0x31: {  	[smem:$0x3FB6] =	sst s10  }
0x32: {  	s10 =	sld [smem:$0x3FB4];
	_ =	sdelay $0x3  }
0x33: {  	p0 =	seq.s32 s10, $0x1;
	s10 =	sld [smem:$0x3FB6];
	_ =	sdelay $0x3  }
0x34: {  	[smem:$0x3FB6] =	sst s10  }
0x35: {  	s10 =	sld [smem:$0x3FB5];
	_ =	sdelay $0x3  }
0x36: {  	p1 =	seq.s32 s10, $0x1;
	s10 =	sld [smem:$0x3FB6];
	_ =	sdelay $0x3  }
0x37: {  	[smem:$0x3FB6] =	sst s10  }
0x38: {  	s10 =	sld [smem:$0x3FB7]  }
0x39: {  	_ = 	snop;
	(pc) =	sbr.ind lr, $3  }
0x3a: {  	_ = 	snop  }
0x3b: {  	_ = 	snop  }
0x3c: {  	p2 =	seq.s32 s10, $0x1;
	s10 =	sld [smem:$0x3FB6]  }
0x3d: {  	_ =	shalt  }
0x3e: {  	_ =	shalt  }
0x3f: {  	_ =	shalt  }
0x40: {  	_ =	shalt  }
0x41: {  	_ =	shalt  }
0x42: {  	_ =	shalt  }
0x43: {  	_ =	shalt  }
0x44: {  	_ =	shalt  }
0x45: {  	_ =	shalt  }
0x46: {  	_ =	shalt  }
0x47: {  	_ =	shalt  }
0x48: {  	_ =	shalt  }
0x49: {  	_ =	shalt  }
0x4a: {  	_ =	shalt  }
0x4b: {  	_ =	shalt  }
0x4c: {  	_ =	shalt  }
0x4d: {  	_ =	shalt  }
0x4e: {  	_ =	shalt  }
0x4f: {  	_ =	shalt  }
0x50: {  	_ =	shalt  }
0x51: {  	_ =	shalt  }
0x52: {  	_ =	shalt  }
0x53: {  	_ =	shalt  }
0x54: {  	_ =	shalt  }
0x55: {  	_ =	shalt  }
0x56: {  	_ =	shalt  }
0x57: {  	_ =	shalt  }
0x58: {  	_ =	shalt  }
0x59: {  	_ =	shalt  }
0x5a: {  	_ =	shalt  }
0x5b: {  	_ =	shalt  }
0x5c: {  	_ =	shalt  }
0x5d: {  	_ =	shalt  }
0x5e: {  	_ =	shalt  }
0x5f: {  	_ =	shalt  }
0x60: {  	_ =	shalt  }
0x61: {  	_ =	shalt  }
0x62: {  	_ =	shalt  }
0x63: {  	_ =	shalt  }
0x64: {  	_ =	shalt  }
0x65: {  	_ =	shalt  }
0x66: {  	_ =	shalt  }
0x67: {  	_ =	shalt  }
0x68: {  	_ =	shalt  }
0x69: {  	_ =	shalt  }
0x6a: {  	_ =	shalt  }
0x6b: {  	_ =	shalt  }
0x6c: {  	_ =	shalt  }
0x6d: {  	_ =	shalt  }
0x6e: {  	_ =	shalt  }
0x6f: {  	_ =	shalt  }
0x70: {  	_ =	shalt  }
0x71: {  	_ =	shalt  }
0x72: {  	_ =	shalt  }
0x73: {  	_ =	shalt  }
0x74: {  	_ =	shalt  }
0x75: {  	_ =	shalt  }
0x76: {  	_ =	shalt  }
0x77: {  	_ =	shalt  }
0x78: {  	_ =	shalt  }
0x79: {  	_ =	shalt  }
0x7a: {  	_ =	shalt  }
0x7b: {  	_ =	shalt  }
0x7c: {  	_ =	shalt  }
0x7d: {  	_ =	shalt  }
0x7e: {  	_ =	shalt  }
0x7f: {  	_ =	shalt  }
0x80: {  	_ =	shalt  }
0x81: {  	_ =	shalt  }
0x82: {  	_ =	shalt  }
0x83: {  	_ =	shalt  }
0x84: {  	_ =	shalt  }
0x85: {  	_ =	shalt  }
0x86: {  	_ =	shalt  }
0x87: {  	_ =	shalt  }
.Lfunc_end0:
.L_simem_size_0:
called_computation_lowered:
.L_overlay_start_0:
0x88: {  	s2 =	sld [smem:$0x3FD9]  }
0x89: {  	s3 =	sld [smem:$0x3FFE];
	_ =	sdelay $0x1  }
0x8a: {  	s1 =	srdreg.scid  }
0x8b: {  	s0 =	sand.u32 $0x1, s1  }
0x8c: {  	s17 =	sshll.u32 s0, $0xA;
	s2 =	sadd.s32 s3, s2  }
0x8d: {  	s2 =	sadd.s32 s2, s17  }
0x8e: {  	[smem:$0x3FC2] =	sst s2  }
0x8f: {  	_ = 	snop  }
0x90: {  	s2 =	sld [smem:$0x3FD0];
	(tm) =	ssettm $0x1  }
0x91: {  	s18 =	sld [smem:$0x3FFB];
	_ =	sdelay $0x3  }
0x92: {  	_ =	strace s18  }
0x93: {  	s3 =	sld [smem:$0x3FFC];
	_ =	sdelay $0x3  }
0x94: {  	_ =	strace s3  }
0x95: {  	s3 =	sld [smem:$0x3FFD];
	_ =	sdelay $0x3  }
0x96: {  	_ =	strace s3  }
0x97: {  	_ =	strace $0x8FFFFFFF  }
0x98: {  	s19 =	sld [smem:$0x3FDB];
	_ =	sdelay $0x1  }
0x99: {  	s4 =	simm.s32 $_scs_section_size  }
0x9a: {  	s5 =	simm.s32 $_size__tile_overlayer_lowered;
	s6 =	simm.s32 $_tile_overlayer_lowered  }
0x9b: {  	s22 =	simm.s32 $0x1BFF;
	s21 =	sshll.u32 s6, $0x1;
	s3 =	sadd.s32 s4, s19  }
0x9c: {  	s7 =	simm.s32 $0x0;
	s20 =	sshll.u32 s5, $0x1;
	s5 =	sadd.s32 s21, s3  }
0x9d: {  	[timem:s7], [sflag:s22] =	dma.local [hbm:s5], s20  }
0x9e: {  	_ =	swait.ge [sflag:s22], s20  }
0x9f: {  	s4 =	ssub.s32 $0x0, s20;
	[sflag:s22] =	ssyncset.done $0x0  }
0xa0: {  	[sflag:s22] =	ssyncadd.s32 s4;
	_ =	sdelay $0x1  }
0xa1: {  	s23 =	simm.s32 $0x1B8B  }
0xa2: {  	_ =	swait.ge [sflag:s23], $0x1  }
0xa3: {  	[sflag:s23] =	ssyncset.done $0x0  }
0xa4: {  	s25 =	simm.s32 $0x1B8E;
	s24 =	sld [smem:$0x3FFE];
	[sflag:s23] =	ssyncadd.s32 $0xFFFFFFFF  }
0xa5: {  	s26 =	simm.s32 $execute0_lowered;
	[smem:$0x3FD2] =	sst s25  }
0xa6: {  	s5 =	sshll.u32 s26, $0x1;
	_ =	strace $0x80000046;
	[dreg:$0x1] =	wrdreg $0xFFFFFFFF  }
0xa7: {  	s28 =	simm.s32 $_size_execute0_lowered;
	s3 =	sadd.s32 s3, s5;
	[dreg:$0x0] =	wrdreg $0x0  }
0xa8: {  	s5 =	sshll.u32 s28, $0x1;
	[dreg:$0x2] =	wrdreg s3  }
0xa9: {  	[dreg:$0x3] =	wrdreg s5  }
0xaa: {  	[dreg:$0x4] =	wrdreg $0xC0  }
0xab: {  	_ =	task [dreg:s7], $0x5FFFF  }
0xac: {  	[dreg:$0x1] =	wrdreg $0xFFFFFFFF  }
0xad: {  	[dreg:$0x0] =	wrdreg $0x60  }
0xae: {  	[dreg:$0x2] =	wrdreg s24  }
0xaf: {  	[dreg:$0x3] =	wrdreg s2  }
0xb0: {  	[dreg:$0x4] =	wrdreg $0x9  }
0xb1: {  	_ =	task.clear_ibuf [dreg:s7], $0x5FFFF;
	_ =	strace $0x90000046  }
0xb2: {  	s29 =	simm.s32 $0x9;
	_ =	strace $0x80000048  }
0xb3: {  	_ =	swait.ge [sflag:s29], $0x1  }
0xb4: {  	[sflag:s29] =	ssyncadd.s32 $0xFFFFFFFF  }
0xb5: {  	_ =	strace $0x90000048  }
0xb6: {  	_ =	sfence  }
0xb7: {  	s30 =	sld [smem:$0x0];
	_ =	sdelay $0x2  }
0xb8: {  	s31 =	sshll.u32 s1, $0xD;
	s1 =	sshrl.u32 s1, $0x2  }
0xb9: {  	s3 =	sand.u32 $0x4000, s31;
	s1 =	sadd.s32 s1, s30  }
0xba: {  	s0 =	sor.u32 s3, s0;
	s1 =	sshll.u32 s1, $0x11  }
0xbb: {  	s0 =	sor.u32 s1, s0  }
0xbc: {  	s0 =	sadd.s32 $0x8F2B, s0  }
0xbd: {  	[sflag:s0] =	ssyncadd.remote.s32 $0x1  }
0xbe: {  	_ =	sfence.sel $0xFFFF  }
0xbf: {  	[dreg:$0x0] =	wrdreg $0xFFFFFFFF;
	(pc) =	sbr.abs _section_cstart, $3  }
0xc0: {  	[dreg:$0x1] =	wrdreg $0xFFFFFFFF  }
0xc1: {  	_ =	task.clear_ibuf [dreg:s7], $0x2FFFF;
	_ =	strace $0x9FFFFFFF  }
0xc2: {  	(tm) =	ssettm $0x7FFFFFFF  }
0xc3: {  	_ =	shalt  }
tec
execute0_lowered:
.L_overlay_start_1:
0x0: {  	(tag) =	ssettag $0x1  }
0x1: {  	s4 =	rddreg [dreg:$0x0];
	s1 =	srdreg.scid  }
0x2: {  	s0 =	stileid.u32;
	s6 =	rddreg [dreg:$0x1]  }
0x3: {  	s2 =	simm.s32 $0x0;
	s10 =	simm.s32 $0x68;
	s11 =	simm.s32 $0x19000  }
0x4: {  	s12 =	simm.s32 $0x60;
	s13 =	simm.s32 $0x19D00;
	s14 =	simm.s32 $0xC8  }
0x5: {  	s15 =	simm.s32 $0x1A900;
	s16 =	simm.s32 $0x130;
	s17 =	simm.s32 $0x1B600  }
0x6: {  	s18 =	simm.s32 $0x1;
	s19 =	simm.s32 $0x2;
	s20 =	simm.s32 $0x1C200  }
0x7: {  	s5 =	sand.u32 $0x1, s1;
	s3 =	sshll.u32 s0, $0x1;
	s1 =	rddreg [dreg:$0x2]  }
0x8: {  	s21 =	simm.s32 $0x0;
	[smem:$0x7FF] =	sst s2;
	s7 =	sor.u32 s5, s3  }
.Ltmp0:
0x9: {  	_ =	strace $0x80000047;
	s5 =	ssub.s32 $0x2, s5;
	(pc) =	sbr.rel .LBB2_1-.Ltmp0, $4  }
0xa: {  	s8 =	smul.u32 $0x3200, s7;
	s9 =	sshrl.u32 s5, $0x1;
	s7 =	sshll.u32 s7, $0x6  }
0xb: {  	s3 =	sadd.s32 $0x1A00, s4;
	s9 =	ssub.s32 s5, s9;
	s6 =	sadd.s32 s6, s7  }
0xc: {  	s8 =	sadd.s32 s8, s4;
	s4 =	sadd.s32 $0xC7600, s4;
	s7 =	smax.u32 s9, $0x1  }
0xd: {  	v0 =	vlaneseq.u32;
	v5 =	vimm.f32 $0.0e+00;
	s9 =	simm.s32 $0x1C400;
	s5 =	sadd.s32 $0x63600, s8;
	s8 =	simm.s32 $0x3  }
.LBB2_8:
0xe: {  	s21 =	sadd.s32 $0x1, s21  }
0xf: {  	p0 =	sne.s32 s21, s7  }
.Ltmp1:
0x10: {  	_ = 	snop;
	(pc) =	sbr.rel @!p0 .LBB2_9-.Ltmp1, $4  }
0x11: {  	[hbm4b:s6+s2] =	stream.linear.scatter [tilespmem:s20], [sflag:$0x3], $0x200, $0x38;
	[tilespmem:$0x1C450] =	vst v63  }
0x12: {  	_ =	swait.ge [sflag:s8], $0x200  }
0x13: {  	[sflag:s8] =	ssyncset.done $0x0  }
0x14: {  	[sflag:s8] =	ssyncadd.s32 $0xFFFFFE00  }
.LBB2_1:
0x15: {  	[tilespmem:s2], [sflag:$0x3] =	stream.linear.gather [hbm4b:s5+s2], $0x19000, $0x38;
	[tilespmem:$0x1C450] =	vst v63  }
0x16: {  	_ =	swait.ge [sflag:s8], $0x19000  }
0x17: {  	[sflag:s8] =	ssyncset.done $0x0  }
0x18: {  	[sflag:s8] =	ssyncadd.s32 $0xFFFE7000  }
0x19: {  	[tilespmem:s9], [sflag:$0x3] =	stream.linear.gather [hbm4b:s4+s2], $0x50, $0x38;
	[tilespmem:$0x1C450] =	vst v63  }
0x1a: {  	_ =	swait.ge [sflag:s8], $0x50  }
0x1b: {  	[sflag:s8] =	ssyncset.done $0x0  }
0x1c: {  	[sflag:s8] =	ssyncadd.s32 $0xFFFFFFB0  }
0x1d: {  	v1 =	vld [tilespmem:$0x1C440];
	_ =	sdelay $0x4  }
0x1e: {  	(v2sf) =	vpush v1, $0x0;
	_ =	sdelay $0x4  }
0x1f: {  	v2 =	vld [tilespmem:$0x1C410]  }
0x20: {  	v3 =	vld [tilespmem:$0x1C420]  }
0x21: {  	v4 =	vld [tilespmem:$0x1C430]  }
0x22: {  	v1 =	vld [tilespmem:$0x1C400];
	[tilespmem:s11], [sflag:$0x1] =	stream.indirect.gather [hbm4b:s3+s10], $0x20, s2, s10, $0xb8  }
0x23: {  	_ = 	snop  }
0x24: {  	[tilespmem:s13], [sflag:$0x1] =	stream.indirect.gather [hbm4b:s3+s12], $0x20, s10, s12, $0xb8;
	[tilespmem:$0x1C450] =	vst v63  }
0x25: {  	_ = 	snop  }
0x26: {  	[tilespmem:s15], [sflag:$0x2] =	stream.indirect.gather [hbm4b:s3+s10], $0x20, s14, s10, $0xb8;
	[tilespmem:$0x1C450] =	vst v63  }
0x27: {  	_ = 	snop  }
0x28: {  	[tilespmem:s17], [sflag:$0x2] =	stream.indirect.gather [hbm4b:s3+s12], $0x20, s16, s12, $0xb8;
	[tilespmem:$0x1C450] =	vst v63  }
0x29: {  	v6 =	vimm.f32 $0.0e+00;
	s23 =	simm.s32 $0x0;
	s22 =	spop (v2sf)  }
.LBB2_2:
0x2a: {  	_ =	swait.ge [sflag:s18], $0xD00  }
0x2b: {  	[sflag:s18] =	ssyncset.done $0x0  }
0x2c: {  	[sflag:s18] =	ssyncadd.s32 $0xFFFFF300  }
0x2d: {  	_ =	swait.ge [sflag:s18], $0xC00  }
0x2e: {  	[sflag:s18] =	ssyncset.done $0x0  }
0x2f: {  	s25 =	simm.s32 $0x0;
	[sflag:s18] =	ssyncadd.s32 $0xFFFFF400  }
0x30: {  	v7 =	vld [tilespmem:s25+$0x19000]  }
0x31: {  	v8 =	vld [tilespmem:s25+$0x19010]  }
0x32: {  	v9 =	vld [tilespmem:s25+$0x19020]  }
0x33: {  	v10 =	vld [tilespmem:s25+$0x19030]  }
0x34: {  	v11 =	vld [tilespmem:s25+$0x19040]  }
0x35: {  	v12 =	vld [tilespmem:s25+$0x19050]  }
0x36: {  	v13 =	vld [tilespmem:s25+$0x19060];
	v7 =	vadd.f32 v7, v5;
	v8 =	vadd.f32 v8, v5  }
0x37: {  	v14 =	vld [tilespmem:s25+$0x19070]  }
0x38: {  	v15 =	vld [tilespmem:s25+$0x19090];
	v7 =	vadd.f32 v9, v7;
	v8 =	vadd.f32 v10, v8  }
0x39: {  	v9 =	vld [tilespmem:s25+$0x19080]  }
0x3a: {  	v16 =	vld [tilespmem:s25+$0x190B0];
	v7 =	vadd.f32 v11, v7;
	v8 =	vadd.f32 v12, v8  }
0x3b: {  	v12 =	vld [tilespmem:s25+$0x190A0]  }
0x3c: {  	v10 =	vld [tilespmem:s25+$0x190D0];
	v11 =	vadd.f32 v13, v7;
	v8 =	vadd.f32 v14, v8  }
0x3d: {  	v7 =	vld [tilespmem:s25+$0x190C0]  }
0x3e: {  	v13 =	vadd.f32 v9, v11;
	v14 =	vadd.f32 v15, v8;
	v8 =	vld [tilespmem:s25+$0x190E0]  }
0x3f: {  	s24 =	simm.s32 $0x100;
	v11 =	vld [tilespmem:s25+$0x190F0]  }
0x40: {  	v9 =	vld [tilespmem:s24+$0x19000];
	s25 =	simm.s32 $0x800;
	v12 =	vadd.f32 v12, v13;
	v13 =	vadd.f32 v16, v14  }
.LBB2_3:
0x41: {  	p0 =	sne.s32 s25, $0x6000;
	v14 =	vld [tilespmem:s24+$0x19010]  }
0x42: {  	v15 =	vld [tilespmem:s24+$0x19020];
	v7 =	vadd.f32 v7, v12;
	v10 =	vadd.f32 v10, v13  }
0x43: {  	v12 =	vld [tilespmem:s24+$0x19030]  }
0x44: {  	v13 =	vld [tilespmem:s24+$0x19040];
	v7 =	vadd.f32 v8, v7;
	v8 =	vadd.f32 v11, v10  }
0x45: {  	v10 =	vld [tilespmem:s24+$0x19050]  }
0x46: {  	v7 =	vadd.f32 v9, v7;
	v8 =	vadd.f32 v14, v8;
	v9 =	vld [tilespmem:s24+$0x19060]  }
0x47: {  	v11 =	vld [tilespmem:s24+$0x19070]  }
0x48: {  	v7 =	vadd.f32 v15, v7;
	v8 =	vadd.f32 v12, v8;
	v12 =	vld [tilespmem:s24+$0x19080]  }
0x49: {  	v14 =	vld [tilespmem:s24+$0x19090]  }
0x4a: {  	v7 =	vadd.f32 v13, v7;
	v8 =	vadd.f32 v10, v8;
	v13 =	vld [tilespmem:s24+$0x190A0]  }
0x4b: {  	v15 =	vld [tilespmem:s24+$0x190B0]  }
.Ltmp2:
0x4c: {  	v9 =	vadd.f32 v9, v7;
	v8 =	vadd.f32 v11, v8;
	v7 =	vld [tilespmem:s24+$0x190C0];
	(pc) =	sbr.rel @p0 .LBB2_3-.Ltmp2, $4  }
0x4d: {  	v10 =	vld [tilespmem:s24+$0x190D0]  }
0x4e: {  	v12 =	vadd.f32 v12, v9;
	v14 =	vadd.f32 v14, v8;
	v8 =	vld [tilespmem:s24+$0x190E0]  }
0x4f: {  	v11 =	vld [tilespmem:s24+$0x190F0];
	s24 =	sshra.s32 s25, $0x2  }
0x50: {  	s25 =	sadd.s32 $0x400, s25;
	v9 =	vld [tilespmem:s24+$0x19000];
	v12 =	vadd.f32 v13, v12;
	v13 =	vadd.f32 v15, v14  }
0x51: {  	v14 =	vld [tilespmem:s24+$0x19010]  }
0x52: {  	v15 =	vld [tilespmem:s24+$0x19020];
	v7 =	vadd.f32 v7, v12;
	v10 =	vadd.f32 v10, v13  }
0x53: {  	v12 =	vld [tilespmem:s24+$0x19030]  }
0x54: {  	v13 =	vld [tilespmem:s24+$0x19040];
	v7 =	vadd.f32 v8, v7;
	v8 =	vadd.f32 v11, v10  }
0x55: {  	v10 =	vld [tilespmem:s24+$0x19050]  }
0x56: {  	v11 =	vld [tilespmem:s24+$0x19070];
	v7 =	vadd.f32 v9, v7;
	v8 =	vadd.f32 v14, v8  }
0x57: {  	v9 =	vld [tilespmem:s24+$0x19060]  }
0x58: {  	v14 =	vld [tilespmem:s24+$0x19090];
	v7 =	vadd.f32 v15, v7;
	v8 =	vadd.f32 v12, v8  }
0x59: {  	v12 =	vld [tilespmem:s24+$0x19080]  }
0x5a: {  	v7 =	vadd.f32 v13, v7;
	v8 =	vadd.f32 v10, v8;
	v10 =	vld [tilespmem:s24+$0x190A0]  }
0x5b: {  	v13 =	vld [tilespmem:s24+$0x190B0]  }
0x5c: {  	v7 =	vadd.f32 v9, v7;
	v8 =	vadd.f32 v11, v8;
	v9 =	vld [tilespmem:s24+$0x190C0]  }
0x5d: {  	v11 =	vld [tilespmem:s24+$0x190D0]  }
0x5e: {  	v7 =	vadd.f32 v12, v7;
	v8 =	vadd.f32 v14, v8;
	v12 =	vld [tilespmem:s24+$0x190E0]  }
0x5f: {  	v14 =	vld [tilespmem:s24+$0x190F0]  }
0x60: {  	v7 =	vadd.f32 v10, v7;
	v8 =	vadd.f32 v13, v8;
	_ =	sdelay $0x1  }
0x61: {  	v7 =	vadd.f32 v9, v7;
	v8 =	vadd.f32 v11, v8;
	_ =	sdelay $0x1  }
0x62: {  	v7 =	vadd.f32 v12, v7;
	v8 =	vadd.f32 v14, v8;
	_ =	sdelay $0x1  }
0x63: {  	v7 =	vadd.f32 v7, v1;
	v8 =	vadd.f32 v8, v2;
	_ =	sdelay $0x1  }
0x64: {  	v7 =	vmax.f32 v7, $0.0e+00;
	v8 =	vmax.f32 v8, $0.0e+00  }
0x65: {  	v7 =	vmul.f32 v7, v3;
	v8 =	vmul.f32 v8, v4;
	_ =	sdelay $0x1  }
0x66: {  	v7 =	vadd.f32 v8, v7;
	_ =	sdelay $0x1  }
0x67: {  	(xrf2) =	vadd.scan.msk.f32 $0xffff, v7;
	_ =	sdelay $0x9  }
0x68: {  	v7, _, _ =	vpop (xrf2)  }
0x69: {  	(v2sf) =	vpush v7, $0xF;
	_ =	sdelay $0x6  }
0x6a: {  	p0 =	seq.s32 s23, $0xFF  }
0x6b: {  	s24 =	smul.u32 @!p0 $0x640, s23;
	_ =	sdelay $0x1  }
0x6c: {  	s24 =	sshra.s32 @!p0 s24, $0x2  }
0x6d: {  	s28 =	simm.s32 @!p0 $0x68;
	s29 =	simm.s32 @!p0 $0x19000;
	s25 =	sadd.s32 @!p0 $0x190, s24  }
0x6e: {  	[tilespmem:s29], [sflag:$0x1] =	stream.indirect.gather @!p0 [hbm4b:s3+s28], $0x20, s25, s28, $0xb8;
	[tilespmem:$0x1C450] =	vst v63  }
0x6f: {  	s24 =	sadd.s32 @!p0 $0x1F8, s24;
	s25 =	simm.s32 @!p0 $0x60;
	s28 =	simm.s32 @!p0 $0x19D00  }
0x70: {  	[tilespmem:s28], [sflag:$0x1] =	stream.indirect.gather @!p0 [hbm4b:s3+s25], $0x20, s24, s25, $0xb8;
	[tilespmem:$0x1C450] =	vst v63  }
0x71: {  	s26 =	spop (v2sf)  }
0x72: {  	_ =	swait.ge [sflag:s19], $0xD00  }
0x73: {  	[sflag:s19] =	ssyncset.done $0x0  }
0x74: {  	[sflag:s19] =	ssyncadd.s32 $0xFFFFF300  }
0x75: {  	_ =	swait.ge [sflag:s19], $0xC00  }
0x76: {  	[sflag:s19] =	ssyncset.done $0x0  }
0x77: {  	s28 =	simm.s32 $0x0;
	[sflag:s19] =	ssyncadd.s32 $0xFFFFF400  }
0x78: {  	v7 =	vld [tilespmem:s28+$0x1A900]  }
0x79: {  	v8 =	vld [tilespmem:s28+$0x1A910]  }
0x7a: {  	v9 =	vld [tilespmem:s28+$0x1A920]  }
0x7b: {  	v10 =	vld [tilespmem:s28+$0x1A930]  }
0x7c: {  	v11 =	vld [tilespmem:s28+$0x1A940]  }
0x7d: {  	v12 =	vimm.f32 $0.0e+00;
	v13 =	vld [tilespmem:s28+$0x1A950]  }
0x7e: {  	v14 =	vld [tilespmem:s28+$0x1A970];
	v7 =	vadd.f32 v7, v12;
	v8 =	vadd.f32 v8, v12  }
0x7f: {  	v12 =	vld [tilespmem:s28+$0x1A960]  }
0x80: {  	v7 =	vadd.f32 v9, v7;
	v8 =	vadd.f32 v10, v8;
	v9 =	vld [tilespmem:s28+$0x1A980]  }
0x81: {  	v10 =	vld [tilespmem:s28+$0x1A990]  }
0x82: {  	v15 =	vld [tilespmem:s28+$0x1A9B0];
	v7 =	vadd.f32 v11, v7;
	v8 =	vadd.f32 v13, v8  }
0x83: {  	v13 =	vld [tilespmem:s28+$0x1A9A0]  }
0x84: {  	s24 =	sshll.u32 s23, $0x1;
	v11 =	vadd.f32 v12, v7;
	v12 =	vadd.f32 v14, v8;
	v7 =	vld [tilespmem:s28+$0x1A9C0]  }
0x85: {  	s25 =	sand.u32 $0xE, s24;
	v8 =	vld [tilespmem:s28+$0x1A9D0]  }
0x86: {  	s31 =	sadd.f32 s26, s22;
	v14 =	vmov s25;
	v16 =	vadd.f32 v9, v11;
	v17 =	vadd.f32 v10, v12;
	v9 =	vld [tilespmem:s28+$0x1A9E0]  }
0x87: {  	s26 =	simm.s32 $0x100;
	vm0 =	veq.s32 v14, v0;
	v11 =	vld [tilespmem:s28+$0x1A9F0]  }
0x88: {  	v6 =	vsel vm0, s31, v6;
	v10 =	vld [tilespmem:s26+$0x1A900];
	s28 =	simm.s32 $0x800;
	v12 =	vadd.f32 v13, v16;
	v13 =	vadd.f32 v15, v17  }
.LBB2_5:
0x89: {  	p1 =	sne.s32 s28, $0x6000;
	v14 =	vld [tilespmem:s26+$0x1A910]  }
0x8a: {  	v15 =	vld [tilespmem:s26+$0x1A920];
	v7 =	vadd.f32 v7, v12;
	v8 =	vadd.f32 v8, v13  }
0x8b: {  	v12 =	vld [tilespmem:s26+$0x1A930]  }
0x8c: {  	v13 =	vld [tilespmem:s26+$0x1A940];
	v7 =	vadd.f32 v9, v7;
	v8 =	vadd.f32 v11, v8  }
0x8d: {  	v9 =	vld [tilespmem:s26+$0x1A950]  }
0x8e: {  	v7 =	vadd.f32 v10, v7;
	v8 =	vadd.f32 v14, v8;
	v10 =	vld [tilespmem:s26+$0x1A960]  }
0x8f: {  	v11 =	vld [tilespmem:s26+$0x1A970]  }
0x90: {  	v7 =	vadd.f32 v15, v7;
	v8 =	vadd.f32 v12, v8;
	v12 =	vld [tilespmem:s26+$0x1A980]  }
0x91: {  	v14 =	vld [tilespmem:s26+$0x1A990]  }
0x92: {  	v7 =	vadd.f32 v13, v7;
	v8 =	vadd.f32 v9, v8;
	v13 =	vld [tilespmem:s26+$0x1A9A0]  }
0x93: {  	v15 =	vld [tilespmem:s26+$0x1A9B0]  }
.Ltmp3:
0x94: {  	v9 =	vadd.f32 v10, v7;
	v10 =	vadd.f32 v11, v8;
	v7 =	vld [tilespmem:s26+$0x1A9C0];
	(pc) =	sbr.rel @p1 .LBB2_5-.Ltmp3, $4  }
0x95: {  	v8 =	vld [tilespmem:s26+$0x1A9D0]  }
0x96: {  	v12 =	vadd.f32 v12, v9;
	v14 =	vadd.f32 v14, v10;
	v9 =	vld [tilespmem:s26+$0x1A9E0]  }
0x97: {  	v11 =	vld [tilespmem:s26+$0x1A9F0];
	s26 =	sshra.s32 s28, $0x2  }
0x98: {  	s28 =	sadd.s32 $0x400, s28;
	v10 =	vld [tilespmem:s26+$0x1A900];
	v12 =	vadd.f32 v13, v12;
	v13 =	vadd.f32 v15, v14  }
0x99: {  	v14 =	vld [tilespmem:s26+$0x1A910]  }
0x9a: {  	v15 =	vld [tilespmem:s26+$0x1A920];
	v7 =	vadd.f32 v7, v12;
	v8 =	vadd.f32 v8, v13  }
0x9b: {  	v51 =	vld [tilespmem:s26+$0x1A930]  }
0x9c: {  	v52 =	vld [tilespmem:s26+$0x1A940];
	v7 =	vadd.f32 v9, v7;
	v8 =	vadd.f32 v11, v8  }
0x9d: {  	v53 =	vld [tilespmem:s26+$0x1A950]  }
0x9e: {  	v54 =	vld [tilespmem:s26+$0x1A960];
	v7 =	vadd.f32 v10, v7;
	v8 =	vadd.f32 v14, v8  }
0x9f: {  	v55 =	vld [tilespmem:s26+$0x1A970]  }
0xa0: {  	v56 =	vld [tilespmem:s26+$0x1A980];
	v7 =	vadd.f32 v15, v7;
	v8 =	vadd.f32 v51, v8  }
0xa1: {  	v57 =	vld [tilespmem:s26+$0x1A990]  }
0xa2: {  	v58 =	vld [tilespmem:s26+$0x1A9A0];
	v7 =	vadd.f32 v52, v7;
	v8 =	vadd.f32 v53, v8  }
0xa3: {  	v59 =	vld [tilespmem:s26+$0x1A9B0]  }
0xa4: {  	v60 =	vld [tilespmem:s26+$0x1A9C0];
	v7 =	vadd.f32 v54, v7;
	v8 =	vadd.f32 v55, v8  }
0xa5: {  	v61 =	vld [tilespmem:s26+$0x1A9D0]  }
0xa6: {  	v62 =	vld [tilespmem:s26+$0x1A9E0];
	v7 =	vadd.f32 v56, v7;
	v8 =	vadd.f32 v57, v8  }
0xa7: {  	v63 =	vld [tilespmem:s26+$0x1A9F0]  }
0xa8: {  	v7 =	vadd.f32 v58, v7;
	v8 =	vadd.f32 v59, v8;
	_ =	sdelay $0x1  }
0xa9: {  	v7 =	vadd.f32 v60, v7;
	v8 =	vadd.f32 v61, v8;
	_ =	sdelay $0x1  }
0xaa: {  	v7 =	vadd.f32 v62, v7;
	v8 =	vadd.f32 v63, v8;
	_ =	sdelay $0x1  }
0xab: {  	v7 =	vadd.f32 v7, v1;
	v8 =	vadd.f32 v8, v2;
	_ =	sdelay $0x1  }
0xac: {  	v7 =	vmax.f32 v7, $0.0e+00;
	v8 =	vmax.f32 v8, $0.0e+00  }
0xad: {  	v7 =	vmul.f32 v7, v3;
	v8 =	vmul.f32 v8, v4;
	_ =	sdelay $0x1  }
0xae: {  	v7 =	vadd.f32 v8, v7;
	_ =	sdelay $0x1  }
0xaf: {  	(xrf2) =	vadd.scan.msk.f32 $0xffff, v7;
	_ =	sdelay $0x9  }
0xb0: {  	v7, _, _ =	vpop (xrf2)  }
0xb1: {  	(v2sf) =	vpush v7, $0xF;
	_ =	sdelay $0xe  }
.Ltmp4:
0xb2: {  	s28 =	sor.u32 $0x1, s25;
	s31 =	spop (v2sf);
	(pc) =	sbr.rel @p0 .LBB2_8-.Ltmp4, $4  }
0xb3: {  	v7 =	vmov s28;
	s26 =	sadd.f32 s31, s22  }
0xb4: {  	vm0 =	veq.s32 v7, v0  }
0xb5: {  	p1 =	sne.s32 s25, $0xE;
	v6 =	vsel vm0, s26, v6  }
0xb6: {  	[tilespmem:s24+$0x1C1F2] =	vst @!p1 v6  }
0xb7: {  	s24 =	smul.u32 $0x640, s23;
	_ =	sdelay $0x1  }
.Ltmp5:
0xb8: {  	s24 =	sshra.s32 s24, $0x2;
	(pc) =	sbr.rel .LBB2_2-.Ltmp5, $4  }
0xb9: {  	s25 =	sadd.s32 $0x258, s24  }
0xba: {  	[tilespmem:s15], [sflag:$0x2] =	stream.indirect.gather [hbm4b:s3+s10], $0x20, s25, s10, $0xb8;
	[tilespmem:$0x1C450] =	vst v63  }
0xbb: {  	s23 =	sadd.s32 $0x1, s23;
	s24 =	sadd.s32 $0x2C0, s24  }
0xbc: {  	[tilespmem:s17], [sflag:$0x2] =	stream.indirect.gather [hbm4b:s3+s12], $0x20, s24, s12, $0xb8;
	[tilespmem:$0x1C450] =	vst v63  }
.LBB2_9:
0xbd: {  	_ =	sfence.sel $0x180000  }
0xbe: {  	[bflag:$0x0] =	sbarrier.arrive $0xFFFF  }
0xbf: {  	p0 =	sne.s32 s0, $0x0;
	_ =	strace $0x90000047  }
0xc0: {  	s0 =	sadd.s32 @!p0 $0x100000, s1;
	[bflag:$0x2] =	sbarrier.arrive $0xFFFF  }
0xc1: {  	[sflag:s0] =	ssyncadd.tile.s32 @!p0 $0x1;
	_ =	shalt  }
.Lfunc_end2:
_tile_overlayer_lowered:
.L_overlay_start_2:
0xc2: {  	(tag) =	ssettag $0x2  }
0xc3: {  	s0 =	rddreg [dreg:$0x0];
	s2 =	stileid.u32  }
0xc4: {  	s1 =	rddreg [dreg:$0x1];
	p0 =	sne.s32 s2, $0x0  }
0xc5: {  	s3 =	rddreg [dreg:$0x2];
	[bflag:$0x3] =	sbarrier.arrive $0xFFFF;
	s2 =	simm.s32 @!p0 $0x1C03  }
0xc6: {  	[timem:s3], [sflag:s2] =	dma.local @!p0 [hbm:s0], s1  }
0xc7: {  	s0 =	simm.s32 @!p0 $0x3  }
0xc8: {  	_ =	swait.ge @!p0 [sflag:s0], s1  }
0xc9: {  	s1 =	ssub.s32 @!p0 $0x0, s1;
	[sflag:s0] =	ssyncset.done @!p0 $0x0  }
0xca: {  	[sflag:s0] =	ssyncadd.s32 @!p0 s1  }
0xcb: {  	[bflag:$0x3] =	sbarrier.arrive $0xFFFF  }
0xcc: {  	_ =	shalt  }

</sc_bundles>
